<compile_context>
chip_gen: v7x
topology: tpu7x:2x2x1
jax: 0.10.2.dev20260603
libtpu: 0.0.44.dev20260713+nightly
codegen_flags: <defaults>
</compile_context>

<pallas_src>
import functools

import jax
import jax.numpy as jnp
from jax import lax
from jax.experimental import pallas as pl
from jax.experimental.pallas import tpu as pltpu
from jax.experimental.pallas import tpu_sc as plsc

D = 32
NW = 32
CHUNK = 128
NBUF = 8
K = 4


def _build(B):
    b_per_w = B // NW
    nchunk = b_per_w // CHUNK
    assert nchunk % NBUF == 0 and nchunk >= 2 * NBUF
    ngroups = (nchunk - NBUF) // NBUF
    mesh = plsc.VectorSubcoreMesh(core_axis_name="c", subcore_axis_name="s")

    @functools.partial(
        pl.kernel,
        mesh=mesh,
        out_type=jax.ShapeDtypeStruct((NW, nchunk, CHUNK, D), jnp.float32),
        scratch_types=[
            pltpu.VMEM((nchunk, CHUNK), jnp.int32),
            pltpu.VMEM((NBUF, CHUNK, D), jnp.float32),
        ] + [pltpu.SemaphoreType.DMA] * (2 * NBUF),
        compiler_params=pltpu.CompilerParams(use_tc_tiling_on_sc=False),
    )
    def k(idx_hbm, table_hbm, out_hbm, idx_v, rows_v, *sems):
        gsem = sems[:NBUF]
        osem = sems[NBUF:]
        wid = lax.axis_index("s") * 2 + lax.axis_index("c")
        pltpu.sync_copy(idx_hbm.at[wid], idx_v)

        def gather_start(c, b):
            pltpu.make_async_copy(
                table_hbm.at[idx_v.at[c]], rows_v.at[b], gsem[b]).start()

        def gather_wait(b):
            pltpu.make_async_copy(
                table_hbm.at[idx_v.at[0]], rows_v.at[b], gsem[b]).wait()

        def out_start(c, b):
            pltpu.make_async_copy(
                rows_v.at[b], out_hbm.at[wid, c], osem[b]).start()

        def out_wait(b):
            pltpu.make_async_copy(
                rows_v.at[b], out_hbm.at[wid, 0], osem[b]).wait()

        for c in range(K):
            gather_start(c, c % NBUF)

        for c in range(NBUF - K):
            gather_wait(c % NBUF)
            out_start(c, c % NBUF)
            gather_start(c + K, (c + K) % NBUF)

        @pl.loop(0, ngroups)
        def _main(g):
            c0 = (NBUF - K) + g * NBUF
            for b8 in range(NBUF):
                c = c0 + b8
                b = (NBUF - K + b8) % NBUF
                gather_wait(b)
                out_start(c, b)
                bp = b8
                out_wait(bp)
                gather_start(c + K, bp)

        for i in range(K):
            c = nchunk - K + i
            gather_wait(c % NBUF)
            out_start(c, c % NBUF)
        for b in range(NBUF):
            out_wait(b)

    return k


def kernel(input, table):
    orig_shape = input.shape
    B = input.size
    idx = input.reshape(NW, B // NW // CHUNK, CHUNK).astype(jnp.int32)
    out = _build(B)(idx, table)
    return out.reshape(orig_shape + (D,))

# --- scband reference (transcript-rebuilt; emitter-appended) ---
"""Pipeline reference for scband-embed-43241730736814 (READ-ONLY COPY).

The authoritative reference and input builder live on the scoring server;
editing this copy changes nothing except your own understanding.
"""

import jax, jax.numpy as jnp
import numpy as np

VOCAB = 1000000
EMBED_DIM = 32

def setup_inputs(seed: int = 0) -> dict:
    key = jax.random.key(seed)
    k1, k2 = jax.random.split(key)
    indices = jax.random.randint(k1, (16384, 50), 0, VOCAB)
    table = jax.random.normal(k2, (VOCAB, EMBED_DIM), dtype=jnp.float32)
    # time=False in __init__ zeroes row 0 of the embedding table
    table = table.at[0].set(0.0)
    return {"input": indices, "table": table}

def reference(input, table):
    # nn.Embedding forward == row gather from the table
    return jnp.take(table, input, axis=0)

if __name__ == "__main__":
    import jax
    _d = setup_inputs()
    print(jax.jit(kernel)(*tuple(_d.values())))

</pallas_src>

<mosaic_0001>
#map = affine_map<(d0, d1) -> (0, 0, 0)>
#map1 = affine_map<(d0, d1) -> (0, 0)>
#map2 = affine_map<(d0, d1) -> (0, 0, 0, 0)>
module attributes {stable_mosaic.version = 14 : i64} {
  func.func @k(%arg0: i32, %arg1: i32, %arg2: memref<32x200x128xi32, #tpu.memory_space<hbm>>, %arg3: memref<1000000x32xf32, #tpu.memory_space<hbm>>, %arg4: memref<32x200x128x32xf32, #tpu.memory_space<hbm>>, %arg5: memref<200x128xi32, #tpu.memory_space<vmem>>, %arg6: memref<8x128x32xf32, #tpu.memory_space<vmem>>, %arg7: memref<!tpu.dma_semaphore, #tpu.memory_space<semaphore_mem>>, %arg8: memref<!tpu.dma_semaphore, #tpu.memory_space<semaphore_mem>>, %arg9: memref<!tpu.dma_semaphore, #tpu.memory_space<semaphore_mem>>, %arg10: memref<!tpu.dma_semaphore, #tpu.memory_space<semaphore_mem>>, %arg11: memref<!tpu.dma_semaphore, #tpu.memory_space<semaphore_mem>>, %arg12: memref<!tpu.dma_semaphore, #tpu.memory_space<semaphore_mem>>, %arg13: memref<!tpu.dma_semaphore, #tpu.memory_space<semaphore_mem>>, %arg14: memref<!tpu.dma_semaphore, #tpu.memory_space<semaphore_mem>>, %arg15: memref<!tpu.dma_semaphore, #tpu.memory_space<semaphore_mem>>, %arg16: memref<!tpu.dma_semaphore, #tpu.memory_space<semaphore_mem>>, %arg17: memref<!tpu.dma_semaphore, #tpu.memory_space<semaphore_mem>>, %arg18: memref<!tpu.dma_semaphore, #tpu.memory_space<semaphore_mem>>, %arg19: memref<!tpu.dma_semaphore, #tpu.memory_space<semaphore_mem>>, %arg20: memref<!tpu.dma_semaphore, #tpu.memory_space<semaphore_mem>>, %arg21: memref<!tpu.dma_semaphore, #tpu.memory_space<semaphore_mem>>, %arg22: memref<!tpu.dma_semaphore, #tpu.memory_space<semaphore_mem>>) attributes {dimension_semantics = [#tpu.dimension_semantics<core_parallel>, #tpu.dimension_semantics<subcore_parallel>], iteration_bounds = array<i64: 2, 16>, scalar_prefetch = 0 : i64, scratch_operands = 18 : i64, tpu.core_type = #tpu.core_type<sc_vector_subcore>, window_params = [{transform_indices = #map}, {transform_indices = #map1}, {transform_indices = #map2}]} {
    %mul3A = arith.constant 2 : i32
    %mul3A_0 = arith.muli %arg1, %mul3A : i32
    %add3A = arith.addi %mul3A_0, %arg0 : i32
    "tpu.region"() ({
      %run_scoped3A = tpu.sem_alloc : memref<!tpu.dma_semaphore, #tpu.memory_space<semaphore_mem>>
      %dma_start3A_483 = arith.constant 0 : i32
      %dma_start3A_484 = arith.constant 0 : i32
      %dma_start3A_485 = tpu.memref_slice %arg2[%add3A, %dma_start3A_483, %dma_start3A_484] : memref<32x200x128xi32, #tpu.memory_space<hbm>> -> memref<1x200x128xi32, #tpu.memory_space<hbm>>
      %dma_start3A_486 = tpu.memref_squeeze %dma_start3A_485 : memref<1x200x128xi32, #tpu.memory_space<hbm>> -> memref<200x128xi32, #tpu.memory_space<hbm>>
      %dma_start3A_487 = arith.constant 0 : i32
      %dma_start3A_488 = arith.constant 0 : i32
      %dma_start3A_489 = tpu.memref_slice %arg2[%add3A, %dma_start3A_487, %dma_start3A_488] : memref<32x200x128xi32, #tpu.memory_space<hbm>> -> memref<1x200x128xi32, #tpu.memory_space<hbm>>
      %dma_start3A_490 = tpu.memref_squeeze %dma_start3A_489 : memref<1x200x128xi32, #tpu.memory_space<hbm>> -> memref<200x128xi32, #tpu.memory_space<hbm>>
      tpu.enqueue_dma source(%dma_start3A_490 : memref<200x128xi32, #tpu.memory_space<hbm>>) target(%arg5 : memref<200x128xi32, #tpu.memory_space<vmem>>) target_semaphore(%run_scoped3A : memref<!tpu.dma_semaphore, #tpu.memory_space<semaphore_mem>>)
      %dma_wait3A_491 = arith.constant 0 : i32
      %dma_wait3A_492 = arith.constant 0 : i32
      %dma_wait3A_493 = tpu.memref_slice %arg2[%add3A, %dma_wait3A_491, %dma_wait3A_492] : memref<32x200x128xi32, #tpu.memory_space<hbm>> -> memref<1x200x128xi32, #tpu.memory_space<hbm>>
      %dma_wait3A_494 = tpu.memref_squeeze %dma_wait3A_493 : memref<1x200x128xi32, #tpu.memory_space<hbm>> -> memref<200x128xi32, #tpu.memory_space<hbm>>
      %dma_wait3A_495 = arith.constant 0 : i32
      %dma_wait3A_496 = arith.constant 0 : i32
      %dma_wait3A_497 = tpu.memref_slice %arg2[%add3A, %dma_wait3A_495, %dma_wait3A_496] : memref<32x200x128xi32, #tpu.memory_space<hbm>> -> memref<1x200x128xi32, #tpu.memory_space<hbm>>
      %dma_wait3A_498 = tpu.memref_squeeze %dma_wait3A_497 : memref<1x200x128xi32, #tpu.memory_space<hbm>> -> memref<200x128xi32, #tpu.memory_space<hbm>>
      tpu.wait_dma2 semaphore(%run_scoped3A : memref<!tpu.dma_semaphore, #tpu.memory_space<semaphore_mem>>) src(%dma_wait3A_498 : memref<200x128xi32, #tpu.memory_space<hbm>>) dst(%arg5 : memref<200x128xi32, #tpu.memory_space<vmem>>)
      tpu.yield
    }) : () -> ()
    %dma_start3A = arith.constant 0 : i32
    %dma_start3A_1 = arith.constant 0 : i32
    %dma_start3A_2 = arith.constant 0 : i32
    %dma_start3A_3 = arith.constant 0 : i32
    %dma_start3A_4 = tpu.memref_slice %arg6[%dma_start3A_1, %dma_start3A_2, %dma_start3A_3] : memref<8x128x32xf32, #tpu.memory_space<vmem>> -> memref<1x128x32xf32, #tpu.memory_space<vmem>>
    %dma_start3A_5 = tpu.memref_squeeze %dma_start3A_4 : memref<1x128x32xf32, #tpu.memory_space<vmem>> -> memref<128x32xf32, #tpu.memory_space<vmem>>
    %dma_start3A_6 = arith.constant 0 : i32
    %dma_start3A_7 = tpu.memref_slice %arg5[%dma_start3A, %dma_start3A_6] : memref<200x128xi32, #tpu.memory_space<vmem>> -> memref<1x128xi32, #tpu.memory_space<vmem>>
    %dma_start3A_8 = tpu.memref_squeeze %dma_start3A_7 : memref<1x128xi32, #tpu.memory_space<vmem>> -> memref<128xi32, #tpu.memory_space<vmem>>
    %dma_start3A_9 = arith.constant 0 : i32
    %dma_start3A_10 = arith.constant 0 : i32
    %dma_start3A_11 = tpu.memref_slice %arg3[%dma_start3A_9, %dma_start3A_10] : memref<1000000x32xf32, #tpu.memory_space<hbm>> -> memref<1000000x32xf32, #tpu.memory_space<hbm>>
    tpu.enqueue_indirect_dma source(%dma_start3A_11 : memref<1000000x32xf32, #tpu.memory_space<hbm>>) target(%dma_start3A_5 : memref<128x32xf32, #tpu.memory_space<vmem>>) offsets(%dma_start3A_8 : memref<128xi32, #tpu.memory_space<vmem>>) semaphore(%arg7 : memref<!tpu.dma_semaphore, #tpu.memory_space<semaphore_mem>>)
    %dma_start3A_12 = arith.constant 1 : i32
    %dma_start3A_13 = arith.constant 1 : i32
    %dma_start3A_14 = arith.constant 0 : i32
    %dma_start3A_15 = arith.constant 0 : i32
    %dma_start3A_16 = tpu.memref_slice %arg6[%dma_start3A_13, %dma_start3A_14, %dma_start3A_15] : memref<8x128x32xf32, #tpu.memory_space<vmem>> -> memref<1x128x32xf32, #tpu.memory_space<vmem>>
    %dma_start3A_17 = tpu.memref_squeeze %dma_start3A_16 : memref<1x128x32xf32, #tpu.memory_space<vmem>> -> memref<128x32xf32, #tpu.memory_space<vmem>>
    %dma_start3A_18 = arith.constant 0 : i32
    %dma_start3A_19 = tpu.memref_slice %arg5[%dma_start3A_12, %dma_start3A_18] : memref<200x128xi32, #tpu.memory_space<vmem>> -> memref<1x128xi32, #tpu.memory_space<vmem>>
    %dma_start3A_20 = tpu.memref_squeeze %dma_start3A_19 : memref<1x128xi32, #tpu.memory_space<vmem>> -> memref<128xi32, #tpu.memory_space<vmem>>
    %dma_start3A_21 = arith.constant 0 : i32
    %dma_start3A_22 = arith.constant 0 : i32
    %dma_start3A_23 = tpu.memref_slice %arg3[%dma_start3A_21, %dma_start3A_22] : memref<1000000x32xf32, #tpu.memory_space<hbm>> -> memref<1000000x32xf32, #tpu.memory_space<hbm>>
    tpu.enqueue_indirect_dma source(%dma_start3A_23 : memref<1000000x32xf32, #tpu.memory_space<hbm>>) target(%dma_start3A_17 : memref<128x32xf32, #tpu.memory_space<vmem>>) offsets(%dma_start3A_20 : memref<128xi32, #tpu.memory_space<vmem>>) semaphore(%arg8 : memref<!tpu.dma_semaphore, #tpu.memory_space<semaphore_mem>>)
    %dma_start3A_24 = arith.constant 2 : i32
    %dma_start3A_25 = arith.constant 2 : i32
    %dma_start3A_26 = arith.constant 0 : i32
    %dma_start3A_27 = arith.constant 0 : i32
    %dma_start3A_28 = tpu.memref_slice %arg6[%dma_start3A_25, %dma_start3A_26, %dma_start3A_27] : memref<8x128x32xf32, #tpu.memory_space<vmem>> -> memref<1x128x32xf32, #tpu.memory_space<vmem>>
    %dma_start3A_29 = tpu.memref_squeeze %dma_start3A_28 : memref<1x128x32xf32, #tpu.memory_space<vmem>> -> memref<128x32xf32, #tpu.memory_space<vmem>>
    %dma_start3A_30 = arith.constant 0 : i32
    %dma_start3A_31 = tpu.memref_slice %arg5[%dma_start3A_24, %dma_start3A_30] : memref<200x128xi32, #tpu.memory_space<vmem>> -> memref<1x128xi32, #tpu.memory_space<vmem>>
    %dma_start3A_32 = tpu.memref_squeeze %dma_start3A_31 : memref<1x128xi32, #tpu.memory_space<vmem>> -> memref<128xi32, #tpu.memory_space<vmem>>
    %dma_start3A_33 = arith.constant 0 : i32
    %dma_start3A_34 = arith.constant 0 : i32
    %dma_start3A_35 = tpu.memref_slice %arg3[%dma_start3A_33, %dma_start3A_34] : memref<1000000x32xf32, #tpu.memory_space<hbm>> -> memref<1000000x32xf32, #tpu.memory_space<hbm>>
    tpu.enqueue_indirect_dma source(%dma_start3A_35 : memref<1000000x32xf32, #tpu.memory_space<hbm>>) target(%dma_start3A_29 : memref<128x32xf32, #tpu.memory_space<vmem>>) offsets(%dma_start3A_32 : memref<128xi32, #tpu.memory_space<vmem>>) semaphore(%arg9 : memref<!tpu.dma_semaphore, #tpu.memory_space<semaphore_mem>>)
    %dma_start3A_36 = arith.constant 3 : i32
    %dma_start3A_37 = arith.constant 3 : i32
    %dma_start3A_38 = arith.constant 0 : i32
    %dma_start3A_39 = arith.constant 0 : i32
    %dma_start3A_40 = tpu.memref_slice %arg6[%dma_start3A_37, %dma_start3A_38, %dma_start3A_39] : memref<8x128x32xf32, #tpu.memory_space<vmem>> -> memref<1x128x32xf32, #tpu.memory_space<vmem>>
    %dma_start3A_41 = tpu.memref_squeeze %dma_start3A_40 : memref<1x128x32xf32, #tpu.memory_space<vmem>> -> memref<128x32xf32, #tpu.memory_space<vmem>>
    %dma_start3A_42 = arith.constant 0 : i32
    %dma_start3A_43 = tpu.memref_slice %arg5[%dma_start3A_36, %dma_start3A_42] : memref<200x128xi32, #tpu.memory_space<vmem>> -> memref<1x128xi32, #tpu.memory_space<vmem>>
    %dma_start3A_44 = tpu.memref_squeeze %dma_start3A_43 : memref<1x128xi32, #tpu.memory_space<vmem>> -> memref<128xi32, #tpu.memory_space<vmem>>
    %dma_start3A_45 = arith.constant 0 : i32
    %dma_start3A_46 = arith.constant 0 : i32
    %dma_start3A_47 = tpu.memref_slice %arg3[%dma_start3A_45, %dma_start3A_46] : memref<1000000x32xf32, #tpu.memory_space<hbm>> -> memref<1000000x32xf32, #tpu.memory_space<hbm>>
    tpu.enqueue_indirect_dma source(%dma_start3A_47 : memref<1000000x32xf32, #tpu.memory_space<hbm>>) target(%dma_start3A_41 : memref<128x32xf32, #tpu.memory_space<vmem>>) offsets(%dma_start3A_44 : memref<128xi32, #tpu.memory_space<vmem>>) semaphore(%arg10 : memref<!tpu.dma_semaphore, #tpu.memory_space<semaphore_mem>>)
    %dma_wait3A = arith.constant 0 : i32
    %dma_wait3A_48 = arith.constant 0 : i32
    %dma_wait3A_49 = arith.constant 0 : i32
    %dma_wait3A_50 = arith.constant 0 : i32
    %dma_wait3A_51 = tpu.memref_slice %arg6[%dma_wait3A_48, %dma_wait3A_49, %dma_wait3A_50] : memref<8x128x32xf32, #tpu.memory_space<vmem>> -> memref<1x128x32xf32, #tpu.memory_space<vmem>>
    %dma_wait3A_52 = tpu.memref_squeeze %dma_wait3A_51 : memref<1x128x32xf32, #tpu.memory_space<vmem>> -> memref<128x32xf32, #tpu.memory_space<vmem>>
    %dma_wait3A_53 = arith.constant 0 : i32
    %dma_wait3A_54 = tpu.memref_slice %arg5[%dma_wait3A, %dma_wait3A_53] : memref<200x128xi32, #tpu.memory_space<vmem>> -> memref<1x128xi32, #tpu.memory_space<vmem>>
    %dma_wait3A_55 = tpu.memref_squeeze %dma_wait3A_54 : memref<1x128xi32, #tpu.memory_space<vmem>> -> memref<128xi32, #tpu.memory_space<vmem>>
    %dma_wait3A_56 = arith.constant 0 : i32
    %dma_wait3A_57 = arith.constant 0 : i32
    %dma_wait3A_58 = tpu.memref_slice %arg3[%dma_wait3A_56, %dma_wait3A_57] : memref<1000000x32xf32, #tpu.memory_space<hbm>> -> memref<1000000x32xf32, #tpu.memory_space<hbm>>
    tpu.wait_indirect_dma semaphore(%arg7 : memref<!tpu.dma_semaphore, #tpu.memory_space<semaphore_mem>>) src(%dma_wait3A_58 : memref<1000000x32xf32, #tpu.memory_space<hbm>>) dst(%dma_wait3A_52 : memref<128x32xf32, #tpu.memory_space<vmem>>)
    %dma_start3A_59 = arith.constant 0 : i32
    %dma_start3A_60 = arith.constant 0 : i32
    %dma_start3A_61 = arith.constant 0 : i32
    %dma_start3A_62 = arith.constant 0 : i32
    %dma_start3A_63 = tpu.memref_slice %arg6[%dma_start3A_59, %dma_start3A_61, %dma_start3A_62] : memref<8x128x32xf32, #tpu.memory_space<vmem>> -> memref<1x128x32xf32, #tpu.memory_space<vmem>>
    %dma_start3A_64 = tpu.memref_squeeze %dma_start3A_63 : memref<1x128x32xf32, #tpu.memory_space<vmem>> -> memref<128x32xf32, #tpu.memory_space<vmem>>
    %dma_start3A_65 = arith.constant 0 : i32
    %dma_start3A_66 = arith.constant 0 : i32
    %dma_start3A_67 = tpu.memref_slice %arg4[%add3A, %dma_start3A_60, %dma_start3A_65, %dma_start3A_66] : memref<32x200x128x32xf32, #tpu.memory_space<hbm>> -> memref<1x1x128x32xf32, #tpu.memory_space<hbm>>
    %dma_start3A_68 = tpu.memref_squeeze %dma_start3A_67 : memref<1x1x128x32xf32, #tpu.memory_space<hbm>> -> memref<128x32xf32, #tpu.memory_space<hbm>>
    %dma_start3A_69 = arith.constant 0 : i32
    %dma_start3A_70 = arith.constant 0 : i32
    %dma_start3A_71 = tpu.memref_slice %arg4[%add3A, %dma_start3A_60, %dma_start3A_69, %dma_start3A_70] : memref<32x200x128x32xf32, #tpu.memory_space<hbm>> -> memref<1x1x128x32xf32, #tpu.memory_space<hbm>>
    %dma_start3A_72 = tpu.memref_squeeze %dma_start3A_71 : memref<1x1x128x32xf32, #tpu.memory_space<hbm>> -> memref<128x32xf32, #tpu.memory_space<hbm>>
    %dma_start3A_73 = arith.constant 0 : i32
    %dma_start3A_74 = arith.constant 0 : i32
    %dma_start3A_75 = tpu.memref_slice %arg6[%dma_start3A_59, %dma_start3A_73, %dma_start3A_74] : memref<8x128x32xf32, #tpu.memory_space<vmem>> -> memref<1x128x32xf32, #tpu.memory_space<vmem>>
    %dma_start3A_76 = tpu.memref_squeeze %dma_start3A_75 : memref<1x128x32xf32, #tpu.memory_space<vmem>> -> memref<128x32xf32, #tpu.memory_space<vmem>>
    tpu.enqueue_dma source(%dma_start3A_76 : memref<128x32xf32, #tpu.memory_space<vmem>>) target(%dma_start3A_72 : memref<128x32xf32, #tpu.memory_space<hbm>>) target_semaphore(%arg15 : memref<!tpu.dma_semaphore, #tpu.memory_space<semaphore_mem>>)
    %dma_start3A_77 = arith.constant 4 : i32
    %dma_start3A_78 = arith.constant 4 : i32
    %dma_start3A_79 = arith.constant 0 : i32
    %dma_start3A_80 = arith.constant 0 : i32
    %dma_start3A_81 = tpu.memref_slice %arg6[%dma_start3A_78, %dma_start3A_79, %dma_start3A_80] : memref<8x128x32xf32, #tpu.memory_space<vmem>> -> memref<1x128x32xf32, #tpu.memory_space<vmem>>
    %dma_start3A_82 = tpu.memref_squeeze %dma_start3A_81 : memref<1x128x32xf32, #tpu.memory_space<vmem>> -> memref<128x32xf32, #tpu.memory_space<vmem>>
    %dma_start3A_83 = arith.constant 0 : i32
    %dma_start3A_84 = tpu.memref_slice %arg5[%dma_start3A_77, %dma_start3A_83] : memref<200x128xi32, #tpu.memory_space<vmem>> -> memref<1x128xi32, #tpu.memory_space<vmem>>
    %dma_start3A_85 = tpu.memref_squeeze %dma_start3A_84 : memref<1x128xi32, #tpu.memory_space<vmem>> -> memref<128xi32, #tpu.memory_space<vmem>>
    %dma_start3A_86 = arith.constant 0 : i32
    %dma_start3A_87 = arith.constant 0 : i32
    %dma_start3A_88 = tpu.memref_slice %arg3[%dma_start3A_86, %dma_start3A_87] : memref<1000000x32xf32, #tpu.memory_space<hbm>> -> memref<1000000x32xf32, #tpu.memory_space<hbm>>
    tpu.enqueue_indirect_dma source(%dma_start3A_88 : memref<1000000x32xf32, #tpu.memory_space<hbm>>) target(%dma_start3A_82 : memref<128x32xf32, #tpu.memory_space<vmem>>) offsets(%dma_start3A_85 : memref<128xi32, #tpu.memory_space<vmem>>) semaphore(%arg11 : memref<!tpu.dma_semaphore, #tpu.memory_space<semaphore_mem>>)
    %dma_wait3A_89 = arith.constant 0 : i32
    %dma_wait3A_90 = arith.constant 1 : i32
    %dma_wait3A_91 = arith.constant 0 : i32
    %dma_wait3A_92 = arith.constant 0 : i32
    %dma_wait3A_93 = tpu.memref_slice %arg6[%dma_wait3A_90, %dma_wait3A_91, %dma_wait3A_92] : memref<8x128x32xf32, #tpu.memory_space<vmem>> -> memref<1x128x32xf32, #tpu.memory_space<vmem>>
    %dma_wait3A_94 = tpu.memref_squeeze %dma_wait3A_93 : memref<1x128x32xf32, #tpu.memory_space<vmem>> -> memref<128x32xf32, #tpu.memory_space<vmem>>
    %dma_wait3A_95 = arith.constant 0 : i32
    %dma_wait3A_96 = tpu.memref_slice %arg5[%dma_wait3A_89, %dma_wait3A_95] : memref<200x128xi32, #tpu.memory_space<vmem>> -> memref<1x128xi32, #tpu.memory_space<vmem>>
    %dma_wait3A_97 = tpu.memref_squeeze %dma_wait3A_96 : memref<1x128xi32, #tpu.memory_space<vmem>> -> memref<128xi32, #tpu.memory_space<vmem>>
    %dma_wait3A_98 = arith.constant 0 : i32
    %dma_wait3A_99 = arith.constant 0 : i32
    %dma_wait3A_100 = tpu.memref_slice %arg3[%dma_wait3A_98, %dma_wait3A_99] : memref<1000000x32xf32, #tpu.memory_space<hbm>> -> memref<1000000x32xf32, #tpu.memory_space<hbm>>
    tpu.wait_indirect_dma semaphore(%arg8 : memref<!tpu.dma_semaphore, #tpu.memory_space<semaphore_mem>>) src(%dma_wait3A_100 : memref<1000000x32xf32, #tpu.memory_space<hbm>>) dst(%dma_wait3A_94 : memref<128x32xf32, #tpu.memory_space<vmem>>)
    %dma_start3A_101 = arith.constant 1 : i32
    %dma_start3A_102 = arith.constant 1 : i32
    %dma_start3A_103 = arith.constant 0 : i32
    %dma_start3A_104 = arith.constant 0 : i32
    %dma_start3A_105 = tpu.memref_slice %arg6[%dma_start3A_101, %dma_start3A_103, %dma_start3A_104] : memref<8x128x32xf32, #tpu.memory_space<vmem>> -> memref<1x128x32xf32, #tpu.memory_space<vmem>>
    %dma_start3A_106 = tpu.memref_squeeze %dma_start3A_105 : memref<1x128x32xf32, #tpu.memory_space<vmem>> -> memref<128x32xf32, #tpu.memory_space<vmem>>
    %dma_start3A_107 = arith.constant 0 : i32
    %dma_start3A_108 = arith.constant 0 : i32
    %dma_start3A_109 = tpu.memref_slice %arg4[%add3A, %dma_start3A_102, %dma_start3A_107, %dma_start3A_108] : memref<32x200x128x32xf32, #tpu.memory_space<hbm>> -> memref<1x1x128x32xf32, #tpu.memory_space<hbm>>
    %dma_start3A_110 = tpu.memref_squeeze %dma_start3A_109 : memref<1x1x128x32xf32, #tpu.memory_space<hbm>> -> memref<128x32xf32, #tpu.memory_space<hbm>>
    %dma_start3A_111 = arith.constant 0 : i32
    %dma_start3A_112 = arith.constant 0 : i32
    %dma_start3A_113 = tpu.memref_slice %arg4[%add3A, %dma_start3A_102, %dma_start3A_111, %dma_start3A_112] : memref<32x200x128x32xf32, #tpu.memory_space<hbm>> -> memref<1x1x128x32xf32, #tpu.memory_space<hbm>>
    %dma_start3A_114 = tpu.memref_squeeze %dma_start3A_113 : memref<1x1x128x32xf32, #tpu.memory_space<hbm>> -> memref<128x32xf32, #tpu.memory_space<hbm>>
    %dma_start3A_115 = arith.constant 0 : i32
    %dma_start3A_116 = arith.constant 0 : i32
    %dma_start3A_117 = tpu.memref_slice %arg6[%dma_start3A_101, %dma_start3A_115, %dma_start3A_116] : memref<8x128x32xf32, #tpu.memory_space<vmem>> -> memref<1x128x32xf32, #tpu.memory_space<vmem>>
    %dma_start3A_118 = tpu.memref_squeeze %dma_start3A_117 : memref<1x128x32xf32, #tpu.memory_space<vmem>> -> memref<128x32xf32, #tpu.memory_space<vmem>>
    tpu.enqueue_dma source(%dma_start3A_118 : memref<128x32xf32, #tpu.memory_space<vmem>>) target(%dma_start3A_114 : memref<128x32xf32, #tpu.memory_space<hbm>>) target_semaphore(%arg16 : memref<!tpu.dma_semaphore, #tpu.memory_space<semaphore_mem>>)
    %dma_start3A_119 = arith.constant 5 : i32
    %dma_start3A_120 = arith.constant 5 : i32
    %dma_start3A_121 = arith.constant 0 : i32
    %dma_start3A_122 = arith.constant 0 : i32
    %dma_start3A_123 = tpu.memref_slice %arg6[%dma_start3A_120, %dma_start3A_121, %dma_start3A_122] : memref<8x128x32xf32, #tpu.memory_space<vmem>> -> memref<1x128x32xf32, #tpu.memory_space<vmem>>
    %dma_start3A_124 = tpu.memref_squeeze %dma_start3A_123 : memref<1x128x32xf32, #tpu.memory_space<vmem>> -> memref<128x32xf32, #tpu.memory_space<vmem>>
    %dma_start3A_125 = arith.constant 0 : i32
    %dma_start3A_126 = tpu.memref_slice %arg5[%dma_start3A_119, %dma_start3A_125] : memref<200x128xi32, #tpu.memory_space<vmem>> -> memref<1x128xi32, #tpu.memory_space<vmem>>
    %dma_start3A_127 = tpu.memref_squeeze %dma_start3A_126 : memref<1x128xi32, #tpu.memory_space<vmem>> -> memref<128xi32, #tpu.memory_space<vmem>>
    %dma_start3A_128 = arith.constant 0 : i32
    %dma_start3A_129 = arith.constant 0 : i32
    %dma_start3A_130 = tpu.memref_slice %arg3[%dma_start3A_128, %dma_start3A_129] : memref<1000000x32xf32, #tpu.memory_space<hbm>> -> memref<1000000x32xf32, #tpu.memory_space<hbm>>
    tpu.enqueue_indirect_dma source(%dma_start3A_130 : memref<1000000x32xf32, #tpu.memory_space<hbm>>) target(%dma_start3A_124 : memref<128x32xf32, #tpu.memory_space<vmem>>) offsets(%dma_start3A_127 : memref<128xi32, #tpu.memory_space<vmem>>) semaphore(%arg12 : memref<!tpu.dma_semaphore, #tpu.memory_space<semaphore_mem>>)
    %dma_wait3A_131 = arith.constant 0 : i32
    %dma_wait3A_132 = arith.constant 2 : i32
    %dma_wait3A_133 = arith.constant 0 : i32
    %dma_wait3A_134 = arith.constant 0 : i32
    %dma_wait3A_135 = tpu.memref_slice %arg6[%dma_wait3A_132, %dma_wait3A_133, %dma_wait3A_134] : memref<8x128x32xf32, #tpu.memory_space<vmem>> -> memref<1x128x32xf32, #tpu.memory_space<vmem>>
    %dma_wait3A_136 = tpu.memref_squeeze %dma_wait3A_135 : memref<1x128x32xf32, #tpu.memory_space<vmem>> -> memref<128x32xf32, #tpu.memory_space<vmem>>
    %dma_wait3A_137 = arith.constant 0 : i32
    %dma_wait3A_138 = tpu.memref_slice %arg5[%dma_wait3A_131, %dma_wait3A_137] : memref<200x128xi32, #tpu.memory_space<vmem>> -> memref<1x128xi32, #tpu.memory_space<vmem>>
    %dma_wait3A_139 = tpu.memref_squeeze %dma_wait3A_138 : memref<1x128xi32, #tpu.memory_space<vmem>> -> memref<128xi32, #tpu.memory_space<vmem>>
    %dma_wait3A_140 = arith.constant 0 : i32
    %dma_wait3A_141 = arith.constant 0 : i32
    %dma_wait3A_142 = tpu.memref_slice %arg3[%dma_wait3A_140, %dma_wait3A_141] : memref<1000000x32xf32, #tpu.memory_space<hbm>> -> memref<1000000x32xf32, #tpu.memory_space<hbm>>
    tpu.wait_indirect_dma semaphore(%arg9 : memref<!tpu.dma_semaphore, #tpu.memory_space<semaphore_mem>>) src(%dma_wait3A_142 : memref<1000000x32xf32, #tpu.memory_space<hbm>>) dst(%dma_wait3A_136 : memref<128x32xf32, #tpu.memory_space<vmem>>)
    %dma_start3A_143 = arith.constant 2 : i32
    %dma_start3A_144 = arith.constant 2 : i32
    %dma_start3A_145 = arith.constant 0 : i32
    %dma_start3A_146 = arith.constant 0 : i32
    %dma_start3A_147 = tpu.memref_slice %arg6[%dma_start3A_143, %dma_start3A_145, %dma_start3A_146] : memref<8x128x32xf32, #tpu.memory_space<vmem>> -> memref<1x128x32xf32, #tpu.memory_space<vmem>>
    %dma_start3A_148 = tpu.memref_squeeze %dma_start3A_147 : memref<1x128x32xf32, #tpu.memory_space<vmem>> -> memref<128x32xf32, #tpu.memory_space<vmem>>
    %dma_start3A_149 = arith.constant 0 : i32
    %dma_start3A_150 = arith.constant 0 : i32
    %dma_start3A_151 = tpu.memref_slice %arg4[%add3A, %dma_start3A_144, %dma_start3A_149, %dma_start3A_150] : memref<32x200x128x32xf32, #tpu.memory_space<hbm>> -> memref<1x1x128x32xf32, #tpu.memory_space<hbm>>
    %dma_start3A_152 = tpu.memref_squeeze %dma_start3A_151 : memref<1x1x128x32xf32, #tpu.memory_space<hbm>> -> memref<128x32xf32, #tpu.memory_space<hbm>>
    %dma_start3A_153 = arith.constant 0 : i32
    %dma_start3A_154 = arith.constant 0 : i32
    %dma_start3A_155 = tpu.memref_slice %arg4[%add3A, %dma_start3A_144, %dma_start3A_153, %dma_start3A_154] : memref<32x200x128x32xf32, #tpu.memory_space<hbm>> -> memref<1x1x128x32xf32, #tpu.memory_space<hbm>>
    %dma_start3A_156 = tpu.memref_squeeze %dma_start3A_155 : memref<1x1x128x32xf32, #tpu.memory_space<hbm>> -> memref<128x32xf32, #tpu.memory_space<hbm>>
    %dma_start3A_157 = arith.constant 0 : i32
    %dma_start3A_158 = arith.constant 0 : i32
    %dma_start3A_159 = tpu.memref_slice %arg6[%dma_start3A_143, %dma_start3A_157, %dma_start3A_158] : memref<8x128x32xf32, #tpu.memory_space<vmem>> -> memref<1x128x32xf32, #tpu.memory_space<vmem>>
    %dma_start3A_160 = tpu.memref_squeeze %dma_start3A_159 : memref<1x128x32xf32, #tpu.memory_space<vmem>> -> memref<128x32xf32, #tpu.memory_space<vmem>>
    tpu.enqueue_dma source(%dma_start3A_160 : memref<128x32xf32, #tpu.memory_space<vmem>>) target(%dma_start3A_156 : memref<128x32xf32, #tpu.memory_space<hbm>>) target_semaphore(%arg17 : memref<!tpu.dma_semaphore, #tpu.memory_space<semaphore_mem>>)
    %dma_start3A_161 = arith.constant 6 : i32
    %dma_start3A_162 = arith.constant 6 : i32
    %dma_start3A_163 = arith.constant 0 : i32
    %dma_start3A_164 = arith.constant 0 : i32
    %dma_start3A_165 = tpu.memref_slice %arg6[%dma_start3A_162, %dma_start3A_163, %dma_start3A_164] : memref<8x128x32xf32, #tpu.memory_space<vmem>> -> memref<1x128x32xf32, #tpu.memory_space<vmem>>
    %dma_start3A_166 = tpu.memref_squeeze %dma_start3A_165 : memref<1x128x32xf32, #tpu.memory_space<vmem>> -> memref<128x32xf32, #tpu.memory_space<vmem>>
    %dma_start3A_167 = arith.constant 0 : i32
    %dma_start3A_168 = tpu.memref_slice %arg5[%dma_start3A_161, %dma_start3A_167] : memref<200x128xi32, #tpu.memory_space<vmem>> -> memref<1x128xi32, #tpu.memory_space<vmem>>
    %dma_start3A_169 = tpu.memref_squeeze %dma_start3A_168 : memref<1x128xi32, #tpu.memory_space<vmem>> -> memref<128xi32, #tpu.memory_space<vmem>>
    %dma_start3A_170 = arith.constant 0 : i32
    %dma_start3A_171 = arith.constant 0 : i32
    %dma_start3A_172 = tpu.memref_slice %arg3[%dma_start3A_170, %dma_start3A_171] : memref<1000000x32xf32, #tpu.memory_space<hbm>> -> memref<1000000x32xf32, #tpu.memory_space<hbm>>
    tpu.enqueue_indirect_dma source(%dma_start3A_172 : memref<1000000x32xf32, #tpu.memory_space<hbm>>) target(%dma_start3A_166 : memref<128x32xf32, #tpu.memory_space<vmem>>) offsets(%dma_start3A_169 : memref<128xi32, #tpu.memory_space<vmem>>) semaphore(%arg13 : memref<!tpu.dma_semaphore, #tpu.memory_space<semaphore_mem>>)
    %dma_wait3A_173 = arith.constant 0 : i32
    %dma_wait3A_174 = arith.constant 3 : i32
    %dma_wait3A_175 = arith.constant 0 : i32
    %dma_wait3A_176 = arith.constant 0 : i32
    %dma_wait3A_177 = tpu.memref_slice %arg6[%dma_wait3A_174, %dma_wait3A_175, %dma_wait3A_176] : memref<8x128x32xf32, #tpu.memory_space<vmem>> -> memref<1x128x32xf32, #tpu.memory_space<vmem>>
    %dma_wait3A_178 = tpu.memref_squeeze %dma_wait3A_177 : memref<1x128x32xf32, #tpu.memory_space<vmem>> -> memref<128x32xf32, #tpu.memory_space<vmem>>
    %dma_wait3A_179 = arith.constant 0 : i32
    %dma_wait3A_180 = tpu.memref_slice %arg5[%dma_wait3A_173, %dma_wait3A_179] : memref<200x128xi32, #tpu.memory_space<vmem>> -> memref<1x128xi32, #tpu.memory_space<vmem>>
    %dma_wait3A_181 = tpu.memref_squeeze %dma_wait3A_180 : memref<1x128xi32, #tpu.memory_space<vmem>> -> memref<128xi32, #tpu.memory_space<vmem>>
    %dma_wait3A_182 = arith.constant 0 : i32
    %dma_wait3A_183 = arith.constant 0 : i32
    %dma_wait3A_184 = tpu.memref_slice %arg3[%dma_wait3A_182, %dma_wait3A_183] : memref<1000000x32xf32, #tpu.memory_space<hbm>> -> memref<1000000x32xf32, #tpu.memory_space<hbm>>
    tpu.wait_indirect_dma semaphore(%arg10 : memref<!tpu.dma_semaphore, #tpu.memory_space<semaphore_mem>>) src(%dma_wait3A_184 : memref<1000000x32xf32, #tpu.memory_space<hbm>>) dst(%dma_wait3A_178 : memref<128x32xf32, #tpu.memory_space<vmem>>)
    %dma_start3A_185 = arith.constant 3 : i32
    %dma_start3A_186 = arith.constant 3 : i32
    %dma_start3A_187 = arith.constant 0 : i32
    %dma_start3A_188 = arith.constant 0 : i32
    %dma_start3A_189 = tpu.memref_slice %arg6[%dma_start3A_185, %dma_start3A_187, %dma_start3A_188] : memref<8x128x32xf32, #tpu.memory_space<vmem>> -> memref<1x128x32xf32, #tpu.memory_space<vmem>>
    %dma_start3A_190 = tpu.memref_squeeze %dma_start3A_189 : memref<1x128x32xf32, #tpu.memory_space<vmem>> -> memref<128x32xf32, #tpu.memory_space<vmem>>
    %dma_start3A_191 = arith.constant 0 : i32
    %dma_start3A_192 = arith.constant 0 : i32
    %dma_start3A_193 = tpu.memref_slice %arg4[%add3A, %dma_start3A_186, %dma_start3A_191, %dma_start3A_192] : memref<32x200x128x32xf32, #tpu.memory_space<hbm>> -> memref<1x1x128x32xf32, #tpu.memory_space<hbm>>
    %dma_start3A_194 = tpu.memref_squeeze %dma_start3A_193 : memref<1x1x128x32xf32, #tpu.memory_space<hbm>> -> memref<128x32xf32, #tpu.memory_space<hbm>>
    %dma_start3A_195 = arith.constant 0 : i32
    %dma_start3A_196 = arith.constant 0 : i32
    %dma_start3A_197 = tpu.memref_slice %arg4[%add3A, %dma_start3A_186, %dma_start3A_195, %dma_start3A_196] : memref<32x200x128x32xf32, #tpu.memory_space<hbm>> -> memref<1x1x128x32xf32, #tpu.memory_space<hbm>>
    %dma_start3A_198 = tpu.memref_squeeze %dma_start3A_197 : memref<1x1x128x32xf32, #tpu.memory_space<hbm>> -> memref<128x32xf32, #tpu.memory_space<hbm>>
    %dma_start3A_199 = arith.constant 0 : i32
    %dma_start3A_200 = arith.constant 0 : i32
    %dma_start3A_201 = tpu.memref_slice %arg6[%dma_start3A_185, %dma_start3A_199, %dma_start3A_200] : memref<8x128x32xf32, #tpu.memory_space<vmem>> -> memref<1x128x32xf32, #tpu.memory_space<vmem>>
    %dma_start3A_202 = tpu.memref_squeeze %dma_start3A_201 : memref<1x128x32xf32, #tpu.memory_space<vmem>> -> memref<128x32xf32, #tpu.memory_space<vmem>>
    tpu.enqueue_dma source(%dma_start3A_202 : memref<128x32xf32, #tpu.memory_space<vmem>>) target(%dma_start3A_198 : memref<128x32xf32, #tpu.memory_space<hbm>>) target_semaphore(%arg18 : memref<!tpu.dma_semaphore, #tpu.memory_space<semaphore_mem>>)
    %dma_start3A_203 = arith.constant 7 : i32
    %dma_start3A_204 = arith.constant 7 : i32
    %dma_start3A_205 = arith.constant 0 : i32
    %dma_start3A_206 = arith.constant 0 : i32
    %dma_start3A_207 = tpu.memref_slice %arg6[%dma_start3A_204, %dma_start3A_205, %dma_start3A_206] : memref<8x128x32xf32, #tpu.memory_space<vmem>> -> memref<1x128x32xf32, #tpu.memory_space<vmem>>
    %dma_start3A_208 = tpu.memref_squeeze %dma_start3A_207 : memref<1x128x32xf32, #tpu.memory_space<vmem>> -> memref<128x32xf32, #tpu.memory_space<vmem>>
    %dma_start3A_209 = arith.constant 0 : i32
    %dma_start3A_210 = tpu.memref_slice %arg5[%dma_start3A_203, %dma_start3A_209] : memref<200x128xi32, #tpu.memory_space<vmem>> -> memref<1x128xi32, #tpu.memory_space<vmem>>
    %dma_start3A_211 = tpu.memref_squeeze %dma_start3A_210 : memref<1x128xi32, #tpu.memory_space<vmem>> -> memref<128xi32, #tpu.memory_space<vmem>>
    %dma_start3A_212 = arith.constant 0 : i32
    %dma_start3A_213 = arith.constant 0 : i32
    %dma_start3A_214 = tpu.memref_slice %arg3[%dma_start3A_212, %dma_start3A_213] : memref<1000000x32xf32, #tpu.memory_space<hbm>> -> memref<1000000x32xf32, #tpu.memory_space<hbm>>
    tpu.enqueue_indirect_dma source(%dma_start3A_214 : memref<1000000x32xf32, #tpu.memory_space<hbm>>) target(%dma_start3A_208 : memref<128x32xf32, #tpu.memory_space<vmem>>) offsets(%dma_start3A_211 : memref<128xi32, #tpu.memory_space<vmem>>) semaphore(%arg14 : memref<!tpu.dma_semaphore, #tpu.memory_space<semaphore_mem>>)
    %scan3A = arith.constant 0 : i32
    %scan3A_215 = arith.constant 24 : i32
    %scan3A_216 = arith.addi %scan3A, %scan3A_215 : i32
    %scan3A_217 = arith.constant 1 : i32
    scf.for %scan3A_483 = %scan3A to %scan3A_216 step %scan3A_217  : i32 {
      %mul3A_484 = arith.constant 1 : i32
      %mul3A_485 = arith.muli %scan3A_483, %mul3A_484 : i32
      %add3A_486 = arith.constant 0 : i32
      %add3A_487 = arith.addi %add3A_486, %mul3A_485 : i32
      %mul3A_488 = arith.constant 8 : i32
      %mul3A_489 = arith.muli %add3A_487, %mul3A_488 : i32
      %add3A_490 = arith.constant 4 : i32
      %add3A_491 = arith.addi %add3A_490, %mul3A_489 : i32
      %add3A_492 = arith.constant 0 : i32
      %add3A_493 = arith.addi %add3A_491, %add3A_492 : i32
      %dma_wait3A_494 = arith.constant 0 : i32
      %dma_wait3A_495 = arith.constant 4 : i32
      %dma_wait3A_496 = arith.constant 0 : i32
      %dma_wait3A_497 = arith.constant 0 : i32
      %dma_wait3A_498 = tpu.memref_slice %arg6[%dma_wait3A_495, %dma_wait3A_496, %dma_wait3A_497] : memref<8x128x32xf32, #tpu.memory_space<vmem>> -> memref<1x128x32xf32, #tpu.memory_space<vmem>>
      %dma_wait3A_499 = tpu.memref_squeeze %dma_wait3A_498 : memref<1x128x32xf32, #tpu.memory_space<vmem>> -> memref<128x32xf32, #tpu.memory_space<vmem>>
      %dma_wait3A_500 = arith.constant 0 : i32
      %dma_wait3A_501 = tpu.memref_slice %arg5[%dma_wait3A_494, %dma_wait3A_500] : memref<200x128xi32, #tpu.memory_space<vmem>> -> memref<1x128xi32, #tpu.memory_space<vmem>>
      %dma_wait3A_502 = tpu.memref_squeeze %dma_wait3A_501 : memref<1x128xi32, #tpu.memory_space<vmem>> -> memref<128xi32, #tpu.memory_space<vmem>>
      %dma_wait3A_503 = arith.constant 0 : i32
      %dma_wait3A_504 = arith.constant 0 : i32
      %dma_wait3A_505 = tpu.memref_slice %arg3[%dma_wait3A_503, %dma_wait3A_504] : memref<1000000x32xf32, #tpu.memory_space<hbm>> -> memref<1000000x32xf32, #tpu.memory_space<hbm>>
      tpu.wait_indirect_dma semaphore(%arg11 : memref<!tpu.dma_semaphore, #tpu.memory_space<semaphore_mem>>) src(%dma_wait3A_505 : memref<1000000x32xf32, #tpu.memory_space<hbm>>) dst(%dma_wait3A_499 : memref<128x32xf32, #tpu.memory_space<vmem>>)
      %dma_start3A_506 = arith.constant 4 : i32
      %dma_start3A_507 = arith.constant 0 : i32
      %dma_start3A_508 = arith.constant 0 : i32
      %dma_start3A_509 = tpu.memref_slice %arg6[%dma_start3A_506, %dma_start3A_507, %dma_start3A_508] : memref<8x128x32xf32, #tpu.memory_space<vmem>> -> memref<1x128x32xf32, #tpu.memory_space<vmem>>
      %dma_start3A_510 = tpu.memref_squeeze %dma_start3A_509 : memref<1x128x32xf32, #tpu.memory_space<vmem>> -> memref<128x32xf32, #tpu.memory_space<vmem>>
      %dma_start3A_511 = arith.constant 0 : i32
      %dma_start3A_512 = arith.constant 0 : i32
      %dma_start3A_513 = tpu.memref_slice %arg4[%add3A, %add3A_493, %dma_start3A_511, %dma_start3A_512] : memref<32x200x128x32xf32, #tpu.memory_space<hbm>> -> memref<1x1x128x32xf32, #tpu.memory_space<hbm>>
      %dma_start3A_514 = tpu.memref_squeeze %dma_start3A_513 : memref<1x1x128x32xf32, #tpu.memory_space<hbm>> -> memref<128x32xf32, #tpu.memory_space<hbm>>
      %dma_start3A_515 = arith.constant 0 : i32
      %dma_start3A_516 = arith.constant 0 : i32
      %dma_start3A_517 = tpu.memref_slice %arg4[%add3A, %add3A_493, %dma_start3A_515, %dma_start3A_516] : memref<32x200x128x32xf32, #tpu.memory_space<hbm>> -> memref<1x1x128x32xf32, #tpu.memory_space<hbm>>
      %dma_start3A_518 = tpu.memref_squeeze %dma_start3A_517 : memref<1x1x128x32xf32, #tpu.memory_space<hbm>> -> memref<128x32xf32, #tpu.memory_space<hbm>>
      %dma_start3A_519 = arith.constant 0 : i32
      %dma_start3A_520 = arith.constant 0 : i32
      %dma_start3A_521 = tpu.memref_slice %arg6[%dma_start3A_506, %dma_start3A_519, %dma_start3A_520] : memref<8x128x32xf32, #tpu.memory_space<vmem>> -> memref<1x128x32xf32, #tpu.memory_space<vmem>>
      %dma_start3A_522 = tpu.memref_squeeze %dma_start3A_521 : memref<1x128x32xf32, #tpu.memory_space<vmem>> -> memref<128x32xf32, #tpu.memory_space<vmem>>
      tpu.enqueue_dma source(%dma_start3A_522 : memref<128x32xf32, #tpu.memory_space<vmem>>) target(%dma_start3A_518 : memref<128x32xf32, #tpu.memory_space<hbm>>) target_semaphore(%arg19 : memref<!tpu.dma_semaphore, #tpu.memory_space<semaphore_mem>>)
      %dma_wait3A_523 = arith.constant 0 : i32
      %dma_wait3A_524 = arith.constant 0 : i32
      %dma_wait3A_525 = arith.constant 0 : i32
      %dma_wait3A_526 = arith.constant 0 : i32
      %dma_wait3A_527 = tpu.memref_slice %arg6[%dma_wait3A_523, %dma_wait3A_525, %dma_wait3A_526] : memref<8x128x32xf32, #tpu.memory_space<vmem>> -> memref<1x128x32xf32, #tpu.memory_space<vmem>>
      %dma_wait3A_528 = tpu.memref_squeeze %dma_wait3A_527 : memref<1x128x32xf32, #tpu.memory_space<vmem>> -> memref<128x32xf32, #tpu.memory_space<vmem>>
      %dma_wait3A_529 = arith.constant 0 : i32
      %dma_wait3A_530 = arith.constant 0 : i32
      %dma_wait3A_531 = tpu.memref_slice %arg4[%add3A, %dma_wait3A_524, %dma_wait3A_529, %dma_wait3A_530] : memref<32x200x128x32xf32, #tpu.memory_space<hbm>> -> memref<1x1x128x32xf32, #tpu.memory_space<hbm>>
      %dma_wait3A_532 = tpu.memref_squeeze %dma_wait3A_531 : memref<1x1x128x32xf32, #tpu.memory_space<hbm>> -> memref<128x32xf32, #tpu.memory_space<hbm>>
      %dma_wait3A_533 = arith.constant 0 : i32
      %dma_wait3A_534 = arith.constant 0 : i32
      %dma_wait3A_535 = tpu.memref_slice %arg4[%add3A, %dma_wait3A_524, %dma_wait3A_533, %dma_wait3A_534] : memref<32x200x128x32xf32, #tpu.memory_space<hbm>> -> memref<1x1x128x32xf32, #tpu.memory_space<hbm>>
      %dma_wait3A_536 = tpu.memref_squeeze %dma_wait3A_535 : memref<1x1x128x32xf32, #tpu.memory_space<hbm>> -> memref<128x32xf32, #tpu.memory_space<hbm>>
      %dma_wait3A_537 = arith.constant 0 : i32
      %dma_wait3A_538 = arith.constant 0 : i32
      %dma_wait3A_539 = tpu.memref_slice %arg6[%dma_wait3A_523, %dma_wait3A_537, %dma_wait3A_538] : memref<8x128x32xf32, #tpu.memory_space<vmem>> -> memref<1x128x32xf32, #tpu.memory_space<vmem>>
      %dma_wait3A_540 = tpu.memref_squeeze %dma_wait3A_539 : memref<1x128x32xf32, #tpu.memory_space<vmem>> -> memref<128x32xf32, #tpu.memory_space<vmem>>
      tpu.wait_dma2 semaphore(%arg15 : memref<!tpu.dma_semaphore, #tpu.memory_space<semaphore_mem>>) src(%dma_wait3A_540 : memref<128x32xf32, #tpu.memory_space<vmem>>) dst(%dma_wait3A_536 : memref<128x32xf32, #tpu.memory_space<hbm>>)
      %add3A_541 = arith.constant 4 : i32
      %add3A_542 = arith.addi %add3A_493, %add3A_541 : i32
      %dma_start3A_543 = arith.constant 0 : i32
      %dma_start3A_544 = arith.constant 0 : i32
      %dma_start3A_545 = arith.constant 0 : i32
      %dma_start3A_546 = tpu.memref_slice %arg6[%dma_start3A_543, %dma_start3A_544, %dma_start3A_545] : memref<8x128x32xf32, #tpu.memory_space<vmem>> -> memref<1x128x32xf32, #tpu.memory_space<vmem>>
      %dma_start3A_547 = tpu.memref_squeeze %dma_start3A_546 : memref<1x128x32xf32, #tpu.memory_space<vmem>> -> memref<128x32xf32, #tpu.memory_space<vmem>>
      %dma_start3A_548 = arith.constant 0 : i32
      %dma_start3A_549 = tpu.memref_slice %arg5[%add3A_542, %dma_start3A_548] : memref<200x128xi32, #tpu.memory_space<vmem>> -> memref<1x128xi32, #tpu.memory_space<vmem>>
      %dma_start3A_550 = tpu.memref_squeeze %dma_start3A_549 : memref<1x128xi32, #tpu.memory_space<vmem>> -> memref<128xi32, #tpu.memory_space<vmem>>
      %dma_start3A_551 = arith.constant 0 : i32
      %dma_start3A_552 = arith.constant 0 : i32
      %dma_start3A_553 = tpu.memref_slice %arg3[%dma_start3A_551, %dma_start3A_552] : memref<1000000x32xf32, #tpu.memory_space<hbm>> -> memref<1000000x32xf32, #tpu.memory_space<hbm>>
      tpu.enqueue_indirect_dma source(%dma_start3A_553 : memref<1000000x32xf32, #tpu.memory_space<hbm>>) target(%dma_start3A_547 : memref<128x32xf32, #tpu.memory_space<vmem>>) offsets(%dma_start3A_550 : memref<128xi32, #tpu.memory_space<vmem>>) semaphore(%arg7 : memref<!tpu.dma_semaphore, #tpu.memory_space<semaphore_mem>>)
      %add3A_554 = arith.constant 1 : i32
      %add3A_555 = arith.addi %add3A_491, %add3A_554 : i32
      %dma_wait3A_556 = arith.constant 0 : i32
      %dma_wait3A_557 = arith.constant 5 : i32
      %dma_wait3A_558 = arith.constant 0 : i32
      %dma_wait3A_559 = arith.constant 0 : i32
      %dma_wait3A_560 = tpu.memref_slice %arg6[%dma_wait3A_557, %dma_wait3A_558, %dma_wait3A_559] : memref<8x128x32xf32, #tpu.memory_space<vmem>> -> memref<1x128x32xf32, #tpu.memory_space<vmem>>
      %dma_wait3A_561 = tpu.memref_squeeze %dma_wait3A_560 : memref<1x128x32xf32, #tpu.memory_space<vmem>> -> memref<128x32xf32, #tpu.memory_space<vmem>>
      %dma_wait3A_562 = arith.constant 0 : i32
      %dma_wait3A_563 = tpu.memref_slice %arg5[%dma_wait3A_556, %dma_wait3A_562] : memref<200x128xi32, #tpu.memory_space<vmem>> -> memref<1x128xi32, #tpu.memory_space<vmem>>
      %dma_wait3A_564 = tpu.memref_squeeze %dma_wait3A_563 : memref<1x128xi32, #tpu.memory_space<vmem>> -> memref<128xi32, #tpu.memory_space<vmem>>
      %dma_wait3A_565 = arith.constant 0 : i32
      %dma_wait3A_566 = arith.constant 0 : i32
      %dma_wait3A_567 = tpu.memref_slice %arg3[%dma_wait3A_565, %dma_wait3A_566] : memref<1000000x32xf32, #tpu.memory_space<hbm>> -> memref<1000000x32xf32, #tpu.memory_space<hbm>>
      tpu.wait_indirect_dma semaphore(%arg12 : memref<!tpu.dma_semaphore, #tpu.memory_space<semaphore_mem>>) src(%dma_wait3A_567 : memref<1000000x32xf32, #tpu.memory_space<hbm>>) dst(%dma_wait3A_561 : memref<128x32xf32, #tpu.memory_space<vmem>>)
      %dma_start3A_568 = arith.constant 5 : i32
      %dma_start3A_569 = arith.constant 0 : i32
      %dma_start3A_570 = arith.constant 0 : i32
      %dma_start3A_571 = tpu.memref_slice %arg6[%dma_start3A_568, %dma_start3A_569, %dma_start3A_570] : memref<8x128x32xf32, #tpu.memory_space<vmem>> -> memref<1x128x32xf32, #tpu.memory_space<vmem>>
      %dma_start3A_572 = tpu.memref_squeeze %dma_start3A_571 : memref<1x128x32xf32, #tpu.memory_space<vmem>> -> memref<128x32xf32, #tpu.memory_space<vmem>>
      %dma_start3A_573 = arith.constant 0 : i32
      %dma_start3A_574 = arith.constant 0 : i32
      %dma_start3A_575 = tpu.memref_slice %arg4[%add3A, %add3A_555, %dma_start3A_573, %dma_start3A_574] : memref<32x200x128x32xf32, #tpu.memory_space<hbm>> -> memref<1x1x128x32xf32, #tpu.memory_space<hbm>>
      %dma_start3A_576 = tpu.memref_squeeze %dma_start3A_575 : memref<1x1x128x32xf32, #tpu.memory_space<hbm>> -> memref<128x32xf32, #tpu.memory_space<hbm>>
      %dma_start3A_577 = arith.constant 0 : i32
      %dma_start3A_578 = arith.constant 0 : i32
      %dma_start3A_579 = tpu.memref_slice %arg4[%add3A, %add3A_555, %dma_start3A_577, %dma_start3A_578] : memref<32x200x128x32xf32, #tpu.memory_space<hbm>> -> memref<1x1x128x32xf32, #tpu.memory_space<hbm>>
      %dma_start3A_580 = tpu.memref_squeeze %dma_start3A_579 : memref<1x1x128x32xf32, #tpu.memory_space<hbm>> -> memref<128x32xf32, #tpu.memory_space<hbm>>
      %dma_start3A_581 = arith.constant 0 : i32
      %dma_start3A_582 = arith.constant 0 : i32
      %dma_start3A_583 = tpu.memref_slice %arg6[%dma_start3A_568, %dma_start3A_581, %dma_start3A_582] : memref<8x128x32xf32, #tpu.memory_space<vmem>> -> memref<1x128x32xf32, #tpu.memory_space<vmem>>
      %dma_start3A_584 = tpu.memref_squeeze %dma_start3A_583 : memref<1x128x32xf32, #tpu.memory_space<vmem>> -> memref<128x32xf32, #tpu.memory_space<vmem>>
      tpu.enqueue_dma source(%dma_start3A_584 : memref<128x32xf32, #tpu.memory_space<vmem>>) target(%dma_start3A_580 : memref<128x32xf32, #tpu.memory_space<hbm>>) target_semaphore(%arg20 : memref<!tpu.dma_semaphore, #tpu.memory_space<semaphore_mem>>)
      %dma_wait3A_585 = arith.constant 1 : i32
      %dma_wait3A_586 = arith.constant 0 : i32
      %dma_wait3A_587 = arith.constant 0 : i32
      %dma_wait3A_588 = arith.constant 0 : i32
      %dma_wait3A_589 = tpu.memref_slice %arg6[%dma_wait3A_585, %dma_wait3A_587, %dma_wait3A_588] : memref<8x128x32xf32, #tpu.memory_space<vmem>> -> memref<1x128x32xf32, #tpu.memory_space<vmem>>
      %dma_wait3A_590 = tpu.memref_squeeze %dma_wait3A_589 : memref<1x128x32xf32, #tpu.memory_space<vmem>> -> memref<128x32xf32, #tpu.memory_space<vmem>>
      %dma_wait3A_591 = arith.constant 0 : i32
      %dma_wait3A_592 = arith.constant 0 : i32
      %dma_wait3A_593 = tpu.memref_slice %arg4[%add3A, %dma_wait3A_586, %dma_wait3A_591, %dma_wait3A_592] : memref<32x200x128x32xf32, #tpu.memory_space<hbm>> -> memref<1x1x128x32xf32, #tpu.memory_space<hbm>>
      %dma_wait3A_594 = tpu.memref_squeeze %dma_wait3A_593 : memref<1x1x128x32xf32, #tpu.memory_space<hbm>> -> memref<128x32xf32, #tpu.memory_space<hbm>>
      %dma_wait3A_595 = arith.constant 0 : i32
      %dma_wait3A_596 = arith.constant 0 : i32
      %dma_wait3A_597 = tpu.memref_slice %arg4[%add3A, %dma_wait3A_586, %dma_wait3A_595, %dma_wait3A_596] : memref<32x200x128x32xf32, #tpu.memory_space<hbm>> -> memref<1x1x128x32xf32, #tpu.memory_space<hbm>>
      %dma_wait3A_598 = tpu.memref_squeeze %dma_wait3A_597 : memref<1x1x128x32xf32, #tpu.memory_space<hbm>> -> memref<128x32xf32, #tpu.memory_space<hbm>>
      %dma_wait3A_599 = arith.constant 0 : i32
      %dma_wait3A_600 = arith.constant 0 : i32
      %dma_wait3A_601 = tpu.memref_slice %arg6[%dma_wait3A_585, %dma_wait3A_599, %dma_wait3A_600] : memref<8x128x32xf32, #tpu.memory_space<vmem>> -> memref<1x128x32xf32, #tpu.memory_space<vmem>>
      %dma_wait3A_602 = tpu.memref_squeeze %dma_wait3A_601 : memref<1x128x32xf32, #tpu.memory_space<vmem>> -> memref<128x32xf32, #tpu.memory_space<vmem>>
      tpu.wait_dma2 semaphore(%arg16 : memref<!tpu.dma_semaphore, #tpu.memory_space<semaphore_mem>>) src(%dma_wait3A_602 : memref<128x32xf32, #tpu.memory_space<vmem>>) dst(%dma_wait3A_598 : memref<128x32xf32, #tpu.memory_space<hbm>>)
      %add3A_603 = arith.constant 4 : i32
      %add3A_604 = arith.addi %add3A_555, %add3A_603 : i32
      %dma_start3A_605 = arith.constant 1 : i32
      %dma_start3A_606 = arith.constant 0 : i32
      %dma_start3A_607 = arith.constant 0 : i32
      %dma_start3A_608 = tpu.memref_slice %arg6[%dma_start3A_605, %dma_start3A_606, %dma_start3A_607] : memref<8x128x32xf32, #tpu.memory_space<vmem>> -> memref<1x128x32xf32, #tpu.memory_space<vmem>>
      %dma_start3A_609 = tpu.memref_squeeze %dma_start3A_608 : memref<1x128x32xf32, #tpu.memory_space<vmem>> -> memref<128x32xf32, #tpu.memory_space<vmem>>
      %dma_start3A_610 = arith.constant 0 : i32
      %dma_start3A_611 = tpu.memref_slice %arg5[%add3A_604, %dma_start3A_610] : memref<200x128xi32, #tpu.memory_space<vmem>> -> memref<1x128xi32, #tpu.memory_space<vmem>>
      %dma_start3A_612 = tpu.memref_squeeze %dma_start3A_611 : memref<1x128xi32, #tpu.memory_space<vmem>> -> memref<128xi32, #tpu.memory_space<vmem>>
      %dma_start3A_613 = arith.constant 0 : i32
      %dma_start3A_614 = arith.constant 0 : i32
      %dma_start3A_615 = tpu.memref_slice %arg3[%dma_start3A_613, %dma_start3A_614] : memref<1000000x32xf32, #tpu.memory_space<hbm>> -> memref<1000000x32xf32, #tpu.memory_space<hbm>>
      tpu.enqueue_indirect_dma source(%dma_start3A_615 : memref<1000000x32xf32, #tpu.memory_space<hbm>>) target(%dma_start3A_609 : memref<128x32xf32, #tpu.memory_space<vmem>>) offsets(%dma_start3A_612 : memref<128xi32, #tpu.memory_space<vmem>>) semaphore(%arg8 : memref<!tpu.dma_semaphore, #tpu.memory_space<semaphore_mem>>)
      %add3A_616 = arith.constant 2 : i32
      %add3A_617 = arith.addi %add3A_491, %add3A_616 : i32
      %dma_wait3A_618 = arith.constant 0 : i32
      %dma_wait3A_619 = arith.constant 6 : i32
      %dma_wait3A_620 = arith.constant 0 : i32
      %dma_wait3A_621 = arith.constant 0 : i32
      %dma_wait3A_622 = tpu.memref_slice %arg6[%dma_wait3A_619, %dma_wait3A_620, %dma_wait3A_621] : memref<8x128x32xf32, #tpu.memory_space<vmem>> -> memref<1x128x32xf32, #tpu.memory_space<vmem>>
      %dma_wait3A_623 = tpu.memref_squeeze %dma_wait3A_622 : memref<1x128x32xf32, #tpu.memory_space<vmem>> -> memref<128x32xf32, #tpu.memory_space<vmem>>
      %dma_wait3A_624 = arith.constant 0 : i32
      %dma_wait3A_625 = tpu.memref_slice %arg5[%dma_wait3A_618, %dma_wait3A_624] : memref<200x128xi32, #tpu.memory_space<vmem>> -> memref<1x128xi32, #tpu.memory_space<vmem>>
      %dma_wait3A_626 = tpu.memref_squeeze %dma_wait3A_625 : memref<1x128xi32, #tpu.memory_space<vmem>> -> memref<128xi32, #tpu.memory_space<vmem>>
      %dma_wait3A_627 = arith.constant 0 : i32
      %dma_wait3A_628 = arith.constant 0 : i32
      %dma_wait3A_629 = tpu.memref_slice %arg3[%dma_wait3A_627, %dma_wait3A_628] : memref<1000000x32xf32, #tpu.memory_space<hbm>> -> memref<1000000x32xf32, #tpu.memory_space<hbm>>
      tpu.wait_indirect_dma semaphore(%arg13 : memref<!tpu.dma_semaphore, #tpu.memory_space<semaphore_mem>>) src(%dma_wait3A_629 : memref<1000000x32xf32, #tpu.memory_space<hbm>>) dst(%dma_wait3A_623 : memref<128x32xf32, #tpu.memory_space<vmem>>)
      %dma_start3A_630 = arith.constant 6 : i32
      %dma_start3A_631 = arith.constant 0 : i32
      %dma_start3A_632 = arith.constant 0 : i32
      %dma_start3A_633 = tpu.memref_slice %arg6[%dma_start3A_630, %dma_start3A_631, %dma_start3A_632] : memref<8x128x32xf32, #tpu.memory_space<vmem>> -> memref<1x128x32xf32, #tpu.memory_space<vmem>>
      %dma_start3A_634 = tpu.memref_squeeze %dma_start3A_633 : memref<1x128x32xf32, #tpu.memory_space<vmem>> -> memref<128x32xf32, #tpu.memory_space<vmem>>
      %dma_start3A_635 = arith.constant 0 : i32
      %dma_start3A_636 = arith.constant 0 : i32
      %dma_start3A_637 = tpu.memref_slice %arg4[%add3A, %add3A_617, %dma_start3A_635, %dma_start3A_636] : memref<32x200x128x32xf32, #tpu.memory_space<hbm>> -> memref<1x1x128x32xf32, #tpu.memory_space<hbm>>
      %dma_start3A_638 = tpu.memref_squeeze %dma_start3A_637 : memref<1x1x128x32xf32, #tpu.memory_space<hbm>> -> memref<128x32xf32, #tpu.memory_space<hbm>>
      %dma_start3A_639 = arith.constant 0 : i32
      %dma_start3A_640 = arith.constant 0 : i32
      %dma_start3A_641 = tpu.memref_slice %arg4[%add3A, %add3A_617, %dma_start3A_639, %dma_start3A_640] : memref<32x200x128x32xf32, #tpu.memory_space<hbm>> -> memref<1x1x128x32xf32, #tpu.memory_space<hbm>>
      %dma_start3A_642 = tpu.memref_squeeze %dma_start3A_641 : memref<1x1x128x32xf32, #tpu.memory_space<hbm>> -> memref<128x32xf32, #tpu.memory_space<hbm>>
      %dma_start3A_643 = arith.constant 0 : i32
      %dma_start3A_644 = arith.constant 0 : i32
      %dma_start3A_645 = tpu.memref_slice %arg6[%dma_start3A_630, %dma_start3A_643, %dma_start3A_644] : memref<8x128x32xf32, #tpu.memory_space<vmem>> -> memref<1x128x32xf32, #tpu.memory_space<vmem>>
      %dma_start3A_646 = tpu.memref_squeeze %dma_start3A_645 : memref<1x128x32xf32, #tpu.memory_space<vmem>> -> memref<128x32xf32, #tpu.memory_space<vmem>>
      tpu.enqueue_dma source(%dma_start3A_646 : memref<128x32xf32, #tpu.memory_space<vmem>>) target(%dma_start3A_642 : memref<128x32xf32, #tpu.memory_space<hbm>>) target_semaphore(%arg21 : memref<!tpu.dma_semaphore, #tpu.memory_space<semaphore_mem>>)
      %dma_wait3A_647 = arith.constant 2 : i32
      %dma_wait3A_648 = arith.constant 0 : i32
      %dma_wait3A_649 = arith.constant 0 : i32
      %dma_wait3A_650 = arith.constant 0 : i32
      %dma_wait3A_651 = tpu.memref_slice %arg6[%dma_wait3A_647, %dma_wait3A_649, %dma_wait3A_650] : memref<8x128x32xf32, #tpu.memory_space<vmem>> -> memref<1x128x32xf32, #tpu.memory_space<vmem>>
      %dma_wait3A_652 = tpu.memref_squeeze %dma_wait3A_651 : memref<1x128x32xf32, #tpu.memory_space<vmem>> -> memref<128x32xf32, #tpu.memory_space<vmem>>
      %dma_wait3A_653 = arith.constant 0 : i32
      %dma_wait3A_654 = arith.constant 0 : i32
      %dma_wait3A_655 = tpu.memref_slice %arg4[%add3A, %dma_wait3A_648, %dma_wait3A_653, %dma_wait3A_654] : memref<32x200x128x32xf32, #tpu.memory_space<hbm>> -> memref<1x1x128x32xf32, #tpu.memory_space<hbm>>
      %dma_wait3A_656 = tpu.memref_squeeze %dma_wait3A_655 : memref<1x1x128x32xf32, #tpu.memory_space<hbm>> -> memref<128x32xf32, #tpu.memory_space<hbm>>
      %dma_wait3A_657 = arith.constant 0 : i32
      %dma_wait3A_658 = arith.constant 0 : i32
      %dma_wait3A_659 = tpu.memref_slice %arg4[%add3A, %dma_wait3A_648, %dma_wait3A_657, %dma_wait3A_658] : memref<32x200x128x32xf32, #tpu.memory_space<hbm>> -> memref<1x1x128x32xf32, #tpu.memory_space<hbm>>
      %dma_wait3A_660 = tpu.memref_squeeze %dma_wait3A_659 : memref<1x1x128x32xf32, #tpu.memory_space<hbm>> -> memref<128x32xf32, #tpu.memory_space<hbm>>
      %dma_wait3A_661 = arith.constant 0 : i32
      %dma_wait3A_662 = arith.constant 0 : i32
      %dma_wait3A_663 = tpu.memref_slice %arg6[%dma_wait3A_647, %dma_wait3A_661, %dma_wait3A_662] : memref<8x128x32xf32, #tpu.memory_space<vmem>> -> memref<1x128x32xf32, #tpu.memory_space<vmem>>
      %dma_wait3A_664 = tpu.memref_squeeze %dma_wait3A_663 : memref<1x128x32xf32, #tpu.memory_space<vmem>> -> memref<128x32xf32, #tpu.memory_space<vmem>>
      tpu.wait_dma2 semaphore(%arg17 : memref<!tpu.dma_semaphore, #tpu.memory_space<semaphore_mem>>) src(%dma_wait3A_664 : memref<128x32xf32, #tpu.memory_space<vmem>>) dst(%dma_wait3A_660 : memref<128x32xf32, #tpu.memory_space<hbm>>)
      %add3A_665 = arith.constant 4 : i32
      %add3A_666 = arith.addi %add3A_617, %add3A_665 : i32
      %dma_start3A_667 = arith.constant 2 : i32
      %dma_start3A_668 = arith.constant 0 : i32
      %dma_start3A_669 = arith.constant 0 : i32
      %dma_start3A_670 = tpu.memref_slice %arg6[%dma_start3A_667, %dma_start3A_668, %dma_start3A_669] : memref<8x128x32xf32, #tpu.memory_space<vmem>> -> memref<1x128x32xf32, #tpu.memory_space<vmem>>
      %dma_start3A_671 = tpu.memref_squeeze %dma_start3A_670 : memref<1x128x32xf32, #tpu.memory_space<vmem>> -> memref<128x32xf32, #tpu.memory_space<vmem>>
      %dma_start3A_672 = arith.constant 0 : i32
      %dma_start3A_673 = tpu.memref_slice %arg5[%add3A_666, %dma_start3A_672] : memref<200x128xi32, #tpu.memory_space<vmem>> -> memref<1x128xi32, #tpu.memory_space<vmem>>
      %dma_start3A_674 = tpu.memref_squeeze %dma_start3A_673 : memref<1x128xi32, #tpu.memory_space<vmem>> -> memref<128xi32, #tpu.memory_space<vmem>>
      %dma_start3A_675 = arith.constant 0 : i32
      %dma_start3A_676 = arith.constant 0 : i32
      %dma_start3A_677 = tpu.memref_slice %arg3[%dma_start3A_675, %dma_start3A_676] : memref<1000000x32xf32, #tpu.memory_space<hbm>> -> memref<1000000x32xf32, #tpu.memory_space<hbm>>
      tpu.enqueue_indirect_dma source(%dma_start3A_677 : memref<1000000x32xf32, #tpu.memory_space<hbm>>) target(%dma_start3A_671 : memref<128x32xf32, #tpu.memory_space<vmem>>) offsets(%dma_start3A_674 : memref<128xi32, #tpu.memory_space<vmem>>) semaphore(%arg9 : memref<!tpu.dma_semaphore, #tpu.memory_space<semaphore_mem>>)
      %add3A_678 = arith.constant 3 : i32
      %add3A_679 = arith.addi %add3A_491, %add3A_678 : i32
      %dma_wait3A_680 = arith.constant 0 : i32
      %dma_wait3A_681 = arith.constant 7 : i32
      %dma_wait3A_682 = arith.constant 0 : i32
      %dma_wait3A_683 = arith.constant 0 : i32
      %dma_wait3A_684 = tpu.memref_slice %arg6[%dma_wait3A_681, %dma_wait3A_682, %dma_wait3A_683] : memref<8x128x32xf32, #tpu.memory_space<vmem>> -> memref<1x128x32xf32, #tpu.memory_space<vmem>>
      %dma_wait3A_685 = tpu.memref_squeeze %dma_wait3A_684 : memref<1x128x32xf32, #tpu.memory_space<vmem>> -> memref<128x32xf32, #tpu.memory_space<vmem>>
      %dma_wait3A_686 = arith.constant 0 : i32
      %dma_wait3A_687 = tpu.memref_slice %arg5[%dma_wait3A_680, %dma_wait3A_686] : memref<200x128xi32, #tpu.memory_space<vmem>> -> memref<1x128xi32, #tpu.memory_space<vmem>>
      %dma_wait3A_688 = tpu.memref_squeeze %dma_wait3A_687 : memref<1x128xi32, #tpu.memory_space<vmem>> -> memref<128xi32, #tpu.memory_space<vmem>>
      %dma_wait3A_689 = arith.constant 0 : i32
      %dma_wait3A_690 = arith.constant 0 : i32
      %dma_wait3A_691 = tpu.memref_slice %arg3[%dma_wait3A_689, %dma_wait3A_690] : memref<1000000x32xf32, #tpu.memory_space<hbm>> -> memref<1000000x32xf32, #tpu.memory_space<hbm>>
      tpu.wait_indirect_dma semaphore(%arg14 : memref<!tpu.dma_semaphore, #tpu.memory_space<semaphore_mem>>) src(%dma_wait3A_691 : memref<1000000x32xf32, #tpu.memory_space<hbm>>) dst(%dma_wait3A_685 : memref<128x32xf32, #tpu.memory_space<vmem>>)
      %dma_start3A_692 = arith.constant 7 : i32
      %dma_start3A_693 = arith.constant 0 : i32
      %dma_start3A_694 = arith.constant 0 : i32
      %dma_start3A_695 = tpu.memref_slice %arg6[%dma_start3A_692, %dma_start3A_693, %dma_start3A_694] : memref<8x128x32xf32, #tpu.memory_space<vmem>> -> memref<1x128x32xf32, #tpu.memory_space<vmem>>
      %dma_start3A_696 = tpu.memref_squeeze %dma_start3A_695 : memref<1x128x32xf32, #tpu.memory_space<vmem>> -> memref<128x32xf32, #tpu.memory_space<vmem>>
      %dma_start3A_697 = arith.constant 0 : i32
      %dma_start3A_698 = arith.constant 0 : i32
      %dma_start3A_699 = tpu.memref_slice %arg4[%add3A, %add3A_679, %dma_start3A_697, %dma_start3A_698] : memref<32x200x128x32xf32, #tpu.memory_space<hbm>> -> memref<1x1x128x32xf32, #tpu.memory_space<hbm>>
      %dma_start3A_700 = tpu.memref_squeeze %dma_start3A_699 : memref<1x1x128x32xf32, #tpu.memory_space<hbm>> -> memref<128x32xf32, #tpu.memory_space<hbm>>
      %dma_start3A_701 = arith.constant 0 : i32
      %dma_start3A_702 = arith.constant 0 : i32
      %dma_start3A_703 = tpu.memref_slice %arg4[%add3A, %add3A_679, %dma_start3A_701, %dma_start3A_702] : memref<32x200x128x32xf32, #tpu.memory_space<hbm>> -> memref<1x1x128x32xf32, #tpu.memory_space<hbm>>
      %dma_start3A_704 = tpu.memref_squeeze %dma_start3A_703 : memref<1x1x128x32xf32, #tpu.memory_space<hbm>> -> memref<128x32xf32, #tpu.memory_space<hbm>>
      %dma_start3A_705 = arith.constant 0 : i32
      %dma_start3A_706 = arith.constant 0 : i32
      %dma_start3A_707 = tpu.memref_slice %arg6[%dma_start3A_692, %dma_start3A_705, %dma_start3A_706] : memref<8x128x32xf32, #tpu.memory_space<vmem>> -> memref<1x128x32xf32, #tpu.memory_space<vmem>>
      %dma_start3A_708 = tpu.memref_squeeze %dma_start3A_707 : memref<1x128x32xf32, #tpu.memory_space<vmem>> -> memref<128x32xf32, #tpu.memory_space<vmem>>
      tpu.enqueue_dma source(%dma_start3A_708 : memref<128x32xf32, #tpu.memory_space<vmem>>) target(%dma_start3A_704 : memref<128x32xf32, #tpu.memory_space<hbm>>) target_semaphore(%arg22 : memref<!tpu.dma_semaphore, #tpu.memory_space<semaphore_mem>>)
      %dma_wait3A_709 = arith.constant 3 : i32
      %dma_wait3A_710 = arith.constant 0 : i32
      %dma_wait3A_711 = arith.constant 0 : i32
      %dma_wait3A_712 = arith.constant 0 : i32
      %dma_wait3A_713 = tpu.memref_slice %arg6[%dma_wait3A_709, %dma_wait3A_711, %dma_wait3A_712] : memref<8x128x32xf32, #tpu.memory_space<vmem>> -> memref<1x128x32xf32, #tpu.memory_space<vmem>>
      %dma_wait3A_714 = tpu.memref_squeeze %dma_wait3A_713 : memref<1x128x32xf32, #tpu.memory_space<vmem>> -> memref<128x32xf32, #tpu.memory_space<vmem>>
      %dma_wait3A_715 = arith.constant 0 : i32
      %dma_wait3A_716 = arith.constant 0 : i32
      %dma_wait3A_717 = tpu.memref_slice %arg4[%add3A, %dma_wait3A_710, %dma_wait3A_715, %dma_wait3A_716] : memref<32x200x128x32xf32, #tpu.memory_space<hbm>> -> memref<1x1x128x32xf32, #tpu.memory_space<hbm>>
      %dma_wait3A_718 = tpu.memref_squeeze %dma_wait3A_717 : memref<1x1x128x32xf32, #tpu.memory_space<hbm>> -> memref<128x32xf32, #tpu.memory_space<hbm>>
      %dma_wait3A_719 = arith.constant 0 : i32
      %dma_wait3A_720 = arith.constant 0 : i32
      %dma_wait3A_721 = tpu.memref_slice %arg4[%add3A, %dma_wait3A_710, %dma_wait3A_719, %dma_wait3A_720] : memref<32x200x128x32xf32, #tpu.memory_space<hbm>> -> memref<1x1x128x32xf32, #tpu.memory_space<hbm>>
      %dma_wait3A_722 = tpu.memref_squeeze %dma_wait3A_721 : memref<1x1x128x32xf32, #tpu.memory_space<hbm>> -> memref<128x32xf32, #tpu.memory_space<hbm>>
      %dma_wait3A_723 = arith.constant 0 : i32
      %dma_wait3A_724 = arith.constant 0 : i32
      %dma_wait3A_725 = tpu.memref_slice %arg6[%dma_wait3A_709, %dma_wait3A_723, %dma_wait3A_724] : memref<8x128x32xf32, #tpu.memory_space<vmem>> -> memref<1x128x32xf32, #tpu.memory_space<vmem>>
      %dma_wait3A_726 = tpu.memref_squeeze %dma_wait3A_725 : memref<1x128x32xf32, #tpu.memory_space<vmem>> -> memref<128x32xf32, #tpu.memory_space<vmem>>
      tpu.wait_dma2 semaphore(%arg18 : memref<!tpu.dma_semaphore, #tpu.memory_space<semaphore_mem>>) src(%dma_wait3A_726 : memref<128x32xf32, #tpu.memory_space<vmem>>) dst(%dma_wait3A_722 : memref<128x32xf32, #tpu.memory_space<hbm>>)
      %add3A_727 = arith.constant 4 : i32
      %add3A_728 = arith.addi %add3A_679, %add3A_727 : i32
      %dma_start3A_729 = arith.constant 3 : i32
      %dma_start3A_730 = arith.constant 0 : i32
      %dma_start3A_731 = arith.constant 0 : i32
      %dma_start3A_732 = tpu.memref_slice %arg6[%dma_start3A_729, %dma_start3A_730, %dma_start3A_731] : memref<8x128x32xf32, #tpu.memory_space<vmem>> -> memref<1x128x32xf32, #tpu.memory_space<vmem>>
      %dma_start3A_733 = tpu.memref_squeeze %dma_start3A_732 : memref<1x128x32xf32, #tpu.memory_space<vmem>> -> memref<128x32xf32, #tpu.memory_space<vmem>>
      %dma_start3A_734 = arith.constant 0 : i32
      %dma_start3A_735 = tpu.memref_slice %arg5[%add3A_728, %dma_start3A_734] : memref<200x128xi32, #tpu.memory_space<vmem>> -> memref<1x128xi32, #tpu.memory_space<vmem>>
      %dma_start3A_736 = tpu.memref_squeeze %dma_start3A_735 : memref<1x128xi32, #tpu.memory_space<vmem>> -> memref<128xi32, #tpu.memory_space<vmem>>
      %dma_start3A_737 = arith.constant 0 : i32
      %dma_start3A_738 = arith.constant 0 : i32
      %dma_start3A_739 = tpu.memref_slice %arg3[%dma_start3A_737, %dma_start3A_738] : memref<1000000x32xf32, #tpu.memory_space<hbm>> -> memref<1000000x32xf32, #tpu.memory_space<hbm>>
      tpu.enqueue_indirect_dma source(%dma_start3A_739 : memref<1000000x32xf32, #tpu.memory_space<hbm>>) target(%dma_start3A_733 : memref<128x32xf32, #tpu.memory_space<vmem>>) offsets(%dma_start3A_736 : memref<128xi32, #tpu.memory_space<vmem>>) semaphore(%arg10 : memref<!tpu.dma_semaphore, #tpu.memory_space<semaphore_mem>>)
      %add3A_740 = arith.constant 4 : i32
      %add3A_741 = arith.addi %add3A_491, %add3A_740 : i32
      %dma_wait3A_742 = arith.constant 0 : i32
      %dma_wait3A_743 = arith.constant 0 : i32
      %dma_wait3A_744 = arith.constant 0 : i32
      %dma_wait3A_745 = arith.constant 0 : i32
      %dma_wait3A_746 = tpu.memref_slice %arg6[%dma_wait3A_743, %dma_wait3A_744, %dma_wait3A_745] : memref<8x128x32xf32, #tpu.memory_space<vmem>> -> memref<1x128x32xf32, #tpu.memory_space<vmem>>
      %dma_wait3A_747 = tpu.memref_squeeze %dma_wait3A_746 : memref<1x128x32xf32, #tpu.memory_space<vmem>> -> memref<128x32xf32, #tpu.memory_space<vmem>>
      %dma_wait3A_748 = arith.constant 0 : i32
      %dma_wait3A_749 = tpu.memref_slice %arg5[%dma_wait3A_742, %dma_wait3A_748] : memref<200x128xi32, #tpu.memory_space<vmem>> -> memref<1x128xi32, #tpu.memory_space<vmem>>
      %dma_wait3A_750 = tpu.memref_squeeze %dma_wait3A_749 : memref<1x128xi32, #tpu.memory_space<vmem>> -> memref<128xi32, #tpu.memory_space<vmem>>
      %dma_wait3A_751 = arith.constant 0 : i32
      %dma_wait3A_752 = arith.constant 0 : i32
      %dma_wait3A_753 = tpu.memref_slice %arg3[%dma_wait3A_751, %dma_wait3A_752] : memref<1000000x32xf32, #tpu.memory_space<hbm>> -> memref<1000000x32xf32, #tpu.memory_space<hbm>>
      tpu.wait_indirect_dma semaphore(%arg7 : memref<!tpu.dma_semaphore, #tpu.memory_space<semaphore_mem>>) src(%dma_wait3A_753 : memref<1000000x32xf32, #tpu.memory_space<hbm>>) dst(%dma_wait3A_747 : memref<128x32xf32, #tpu.memory_space<vmem>>)
      %dma_start3A_754 = arith.constant 0 : i32
      %dma_start3A_755 = arith.constant 0 : i32
      %dma_start3A_756 = arith.constant 0 : i32
      %dma_start3A_757 = tpu.memref_slice %arg6[%dma_start3A_754, %dma_start3A_755, %dma_start3A_756] : memref<8x128x32xf32, #tpu.memory_space<vmem>> -> memref<1x128x32xf32, #tpu.memory_space<vmem>>
      %dma_start3A_758 = tpu.memref_squeeze %dma_start3A_757 : memref<1x128x32xf32, #tpu.memory_space<vmem>> -> memref<128x32xf32, #tpu.memory_space<vmem>>
      %dma_start3A_759 = arith.constant 0 : i32
      %dma_start3A_760 = arith.constant 0 : i32
      %dma_start3A_761 = tpu.memref_slice %arg4[%add3A, %add3A_741, %dma_start3A_759, %dma_start3A_760] : memref<32x200x128x32xf32, #tpu.memory_space<hbm>> -> memref<1x1x128x32xf32, #tpu.memory_space<hbm>>
      %dma_start3A_762 = tpu.memref_squeeze %dma_start3A_761 : memref<1x1x128x32xf32, #tpu.memory_space<hbm>> -> memref<128x32xf32, #tpu.memory_space<hbm>>
      %dma_start3A_763 = arith.constant 0 : i32
      %dma_start3A_764 = arith.constant 0 : i32
      %dma_start3A_765 = tpu.memref_slice %arg4[%add3A, %add3A_741, %dma_start3A_763, %dma_start3A_764] : memref<32x200x128x32xf32, #tpu.memory_space<hbm>> -> memref<1x1x128x32xf32, #tpu.memory_space<hbm>>
      %dma_start3A_766 = tpu.memref_squeeze %dma_start3A_765 : memref<1x1x128x32xf32, #tpu.memory_space<hbm>> -> memref<128x32xf32, #tpu.memory_space<hbm>>
      %dma_start3A_767 = arith.constant 0 : i32
      %dma_start3A_768 = arith.constant 0 : i32
      %dma_start3A_769 = tpu.memref_slice %arg6[%dma_start3A_754, %dma_start3A_767, %dma_start3A_768] : memref<8x128x32xf32, #tpu.memory_space<vmem>> -> memref<1x128x32xf32, #tpu.memory_space<vmem>>
      %dma_start3A_770 = tpu.memref_squeeze %dma_start3A_769 : memref<1x128x32xf32, #tpu.memory_space<vmem>> -> memref<128x32xf32, #tpu.memory_space<vmem>>
      tpu.enqueue_dma source(%dma_start3A_770 : memref<128x32xf32, #tpu.memory_space<vmem>>) target(%dma_start3A_766 : memref<128x32xf32, #tpu.memory_space<hbm>>) target_semaphore(%arg15 : memref<!tpu.dma_semaphore, #tpu.memory_space<semaphore_mem>>)
      %dma_wait3A_771 = arith.constant 4 : i32
      %dma_wait3A_772 = arith.constant 0 : i32
      %dma_wait3A_773 = arith.constant 0 : i32
      %dma_wait3A_774 = arith.constant 0 : i32
      %dma_wait3A_775 = tpu.memref_slice %arg6[%dma_wait3A_771, %dma_wait3A_773, %dma_wait3A_774] : memref<8x128x32xf32, #tpu.memory_space<vmem>> -> memref<1x128x32xf32, #tpu.memory_space<vmem>>
      %dma_wait3A_776 = tpu.memref_squeeze %dma_wait3A_775 : memref<1x128x32xf32, #tpu.memory_space<vmem>> -> memref<128x32xf32, #tpu.memory_space<vmem>>
      %dma_wait3A_777 = arith.constant 0 : i32
      %dma_wait3A_778 = arith.constant 0 : i32
      %dma_wait3A_779 = tpu.memref_slice %arg4[%add3A, %dma_wait3A_772, %dma_wait3A_777, %dma_wait3A_778] : memref<32x200x128x32xf32, #tpu.memory_space<hbm>> -> memref<1x1x128x32xf32, #tpu.memory_space<hbm>>
      %dma_wait3A_780 = tpu.memref_squeeze %dma_wait3A_779 : memref<1x1x128x32xf32, #tpu.memory_space<hbm>> -> memref<128x32xf32, #tpu.memory_space<hbm>>
      %dma_wait3A_781 = arith.constant 0 : i32
      %dma_wait3A_782 = arith.constant 0 : i32
      %dma_wait3A_783 = tpu.memref_slice %arg4[%add3A, %dma_wait3A_772, %dma_wait3A_781, %dma_wait3A_782] : memref<32x200x128x32xf32, #tpu.memory_space<hbm>> -> memref<1x1x128x32xf32, #tpu.memory_space<hbm>>
      %dma_wait3A_784 = tpu.memref_squeeze %dma_wait3A_783 : memref<1x1x128x32xf32, #tpu.memory_space<hbm>> -> memref<128x32xf32, #tpu.memory_space<hbm>>
      %dma_wait3A_785 = arith.constant 0 : i32
      %dma_wait3A_786 = arith.constant 0 : i32
      %dma_wait3A_787 = tpu.memref_slice %arg6[%dma_wait3A_771, %dma_wait3A_785, %dma_wait3A_786] : memref<8x128x32xf32, #tpu.memory_space<vmem>> -> memref<1x128x32xf32, #tpu.memory_space<vmem>>
      %dma_wait3A_788 = tpu.memref_squeeze %dma_wait3A_787 : memref<1x128x32xf32, #tpu.memory_space<vmem>> -> memref<128x32xf32, #tpu.memory_space<vmem>>
      tpu.wait_dma2 semaphore(%arg19 : memref<!tpu.dma_semaphore, #tpu.memory_space<semaphore_mem>>) src(%dma_wait3A_788 : memref<128x32xf32, #tpu.memory_space<vmem>>) dst(%dma_wait3A_784 : memref<128x32xf32, #tpu.memory_space<hbm>>)
      %add3A_789 = arith.constant 4 : i32
      %add3A_790 = arith.addi %add3A_741, %add3A_789 : i32
      %dma_start3A_791 = arith.constant 4 : i32
      %dma_start3A_792 = arith.constant 0 : i32
      %dma_start3A_793 = arith.constant 0 : i32
      %dma_start3A_794 = tpu.memref_slice %arg6[%dma_start3A_791, %dma_start3A_792, %dma_start3A_793] : memref<8x128x32xf32, #tpu.memory_space<vmem>> -> memref<1x128x32xf32, #tpu.memory_space<vmem>>
      %dma_start3A_795 = tpu.memref_squeeze %dma_start3A_794 : memref<1x128x32xf32, #tpu.memory_space<vmem>> -> memref<128x32xf32, #tpu.memory_space<vmem>>
      %dma_start3A_796 = arith.constant 0 : i32
      %dma_start3A_797 = tpu.memref_slice %arg5[%add3A_790, %dma_start3A_796] : memref<200x128xi32, #tpu.memory_space<vmem>> -> memref<1x128xi32, #tpu.memory_space<vmem>>
      %dma_start3A_798 = tpu.memref_squeeze %dma_start3A_797 : memref<1x128xi32, #tpu.memory_space<vmem>> -> memref<128xi32, #tpu.memory_space<vmem>>
      %dma_start3A_799 = arith.constant 0 : i32
      %dma_start3A_800 = arith.constant 0 : i32
      %dma_start3A_801 = tpu.memref_slice %arg3[%dma_start3A_799, %dma_start3A_800] : memref<1000000x32xf32, #tpu.memory_space<hbm>> -> memref<1000000x32xf32, #tpu.memory_space<hbm>>
      tpu.enqueue_indirect_dma source(%dma_start3A_801 : memref<1000000x32xf32, #tpu.memory_space<hbm>>) target(%dma_start3A_795 : memref<128x32xf32, #tpu.memory_space<vmem>>) offsets(%dma_start3A_798 : memref<128xi32, #tpu.memory_space<vmem>>) semaphore(%arg11 : memref<!tpu.dma_semaphore, #tpu.memory_space<semaphore_mem>>)
      %add3A_802 = arith.constant 5 : i32
      %add3A_803 = arith.addi %add3A_491, %add3A_802 : i32
      %dma_wait3A_804 = arith.constant 0 : i32
      %dma_wait3A_805 = arith.constant 1 : i32
      %dma_wait3A_806 = arith.constant 0 : i32
      %dma_wait3A_807 = arith.constant 0 : i32
      %dma_wait3A_808 = tpu.memref_slice %arg6[%dma_wait3A_805, %dma_wait3A_806, %dma_wait3A_807] : memref<8x128x32xf32, #tpu.memory_space<vmem>> -> memref<1x128x32xf32, #tpu.memory_space<vmem>>
      %dma_wait3A_809 = tpu.memref_squeeze %dma_wait3A_808 : memref<1x128x32xf32, #tpu.memory_space<vmem>> -> memref<128x32xf32, #tpu.memory_space<vmem>>
      %dma_wait3A_810 = arith.constant 0 : i32
      %dma_wait3A_811 = tpu.memref_slice %arg5[%dma_wait3A_804, %dma_wait3A_810] : memref<200x128xi32, #tpu.memory_space<vmem>> -> memref<1x128xi32, #tpu.memory_space<vmem>>
      %dma_wait3A_812 = tpu.memref_squeeze %dma_wait3A_811 : memref<1x128xi32, #tpu.memory_space<vmem>> -> memref<128xi32, #tpu.memory_space<vmem>>
      %dma_wait3A_813 = arith.constant 0 : i32
      %dma_wait3A_814 = arith.constant 0 : i32
      %dma_wait3A_815 = tpu.memref_slice %arg3[%dma_wait3A_813, %dma_wait3A_814] : memref<1000000x32xf32, #tpu.memory_space<hbm>> -> memref<1000000x32xf32, #tpu.memory_space<hbm>>
      tpu.wait_indirect_dma semaphore(%arg8 : memref<!tpu.dma_semaphore, #tpu.memory_space<semaphore_mem>>) src(%dma_wait3A_815 : memref<1000000x32xf32, #tpu.memory_space<hbm>>) dst(%dma_wait3A_809 : memref<128x32xf32, #tpu.memory_space<vmem>>)
      %dma_start3A_816 = arith.constant 1 : i32
      %dma_start3A_817 = arith.constant 0 : i32
      %dma_start3A_818 = arith.constant 0 : i32
      %dma_start3A_819 = tpu.memref_slice %arg6[%dma_start3A_816, %dma_start3A_817, %dma_start3A_818] : memref<8x128x32xf32, #tpu.memory_space<vmem>> -> memref<1x128x32xf32, #tpu.memory_space<vmem>>
      %dma_start3A_820 = tpu.memref_squeeze %dma_start3A_819 : memref<1x128x32xf32, #tpu.memory_space<vmem>> -> memref<128x32xf32, #tpu.memory_space<vmem>>
      %dma_start3A_821 = arith.constant 0 : i32
      %dma_start3A_822 = arith.constant 0 : i32
      %dma_start3A_823 = tpu.memref_slice %arg4[%add3A, %add3A_803, %dma_start3A_821, %dma_start3A_822] : memref<32x200x128x32xf32, #tpu.memory_space<hbm>> -> memref<1x1x128x32xf32, #tpu.memory_space<hbm>>
      %dma_start3A_824 = tpu.memref_squeeze %dma_start3A_823 : memref<1x1x128x32xf32, #tpu.memory_space<hbm>> -> memref<128x32xf32, #tpu.memory_space<hbm>>
      %dma_start3A_825 = arith.constant 0 : i32
      %dma_start3A_826 = arith.constant 0 : i32
      %dma_start3A_827 = tpu.memref_slice %arg4[%add3A, %add3A_803, %dma_start3A_825, %dma_start3A_826] : memref<32x200x128x32xf32, #tpu.memory_space<hbm>> -> memref<1x1x128x32xf32, #tpu.memory_space<hbm>>
      %dma_start3A_828 = tpu.memref_squeeze %dma_start3A_827 : memref<1x1x128x32xf32, #tpu.memory_space<hbm>> -> memref<128x32xf32, #tpu.memory_space<hbm>>
      %dma_start3A_829 = arith.constant 0 : i32
      %dma_start3A_830 = arith.constant 0 : i32
      %dma_start3A_831 = tpu.memref_slice %arg6[%dma_start3A_816, %dma_start3A_829, %dma_start3A_830] : memref<8x128x32xf32, #tpu.memory_space<vmem>> -> memref<1x128x32xf32, #tpu.memory_space<vmem>>
      %dma_start3A_832 = tpu.memref_squeeze %dma_start3A_831 : memref<1x128x32xf32, #tpu.memory_space<vmem>> -> memref<128x32xf32, #tpu.memory_space<vmem>>
      tpu.enqueue_dma source(%dma_start3A_832 : memref<128x32xf32, #tpu.memory_space<vmem>>) target(%dma_start3A_828 : memref<128x32xf32, #tpu.memory_space<hbm>>) target_semaphore(%arg16 : memref<!tpu.dma_semaphore, #tpu.memory_space<semaphore_mem>>)
      %dma_wait3A_833 = arith.constant 5 : i32
      %dma_wait3A_834 = arith.constant 0 : i32
      %dma_wait3A_835 = arith.constant 0 : i32
      %dma_wait3A_836 = arith.constant 0 : i32
      %dma_wait3A_837 = tpu.memref_slice %arg6[%dma_wait3A_833, %dma_wait3A_835, %dma_wait3A_836] : memref<8x128x32xf32, #tpu.memory_space<vmem>> -> memref<1x128x32xf32, #tpu.memory_space<vmem>>
      %dma_wait3A_838 = tpu.memref_squeeze %dma_wait3A_837 : memref<1x128x32xf32, #tpu.memory_space<vmem>> -> memref<128x32xf32, #tpu.memory_space<vmem>>
      %dma_wait3A_839 = arith.constant 0 : i32
      %dma_wait3A_840 = arith.constant 0 : i32
      %dma_wait3A_841 = tpu.memref_slice %arg4[%add3A, %dma_wait3A_834, %dma_wait3A_839, %dma_wait3A_840] : memref<32x200x128x32xf32, #tpu.memory_space<hbm>> -> memref<1x1x128x32xf32, #tpu.memory_space<hbm>>
      %dma_wait3A_842 = tpu.memref_squeeze %dma_wait3A_841 : memref<1x1x128x32xf32, #tpu.memory_space<hbm>> -> memref<128x32xf32, #tpu.memory_space<hbm>>
      %dma_wait3A_843 = arith.constant 0 : i32
      %dma_wait3A_844 = arith.constant 0 : i32
      %dma_wait3A_845 = tpu.memref_slice %arg4[%add3A, %dma_wait3A_834, %dma_wait3A_843, %dma_wait3A_844] : memref<32x200x128x32xf32, #tpu.memory_space<hbm>> -> memref<1x1x128x32xf32, #tpu.memory_space<hbm>>
      %dma_wait3A_846 = tpu.memref_squeeze %dma_wait3A_845 : memref<1x1x128x32xf32, #tpu.memory_space<hbm>> -> memref<128x32xf32, #tpu.memory_space<hbm>>
      %dma_wait3A_847 = arith.constant 0 : i32
      %dma_wait3A_848 = arith.constant 0 : i32
      %dma_wait3A_849 = tpu.memref_slice %arg6[%dma_wait3A_833, %dma_wait3A_847, %dma_wait3A_848] : memref<8x128x32xf32, #tpu.memory_space<vmem>> -> memref<1x128x32xf32, #tpu.memory_space<vmem>>
      %dma_wait3A_850 = tpu.memref_squeeze %dma_wait3A_849 : memref<1x128x32xf32, #tpu.memory_space<vmem>> -> memref<128x32xf32, #tpu.memory_space<vmem>>
      tpu.wait_dma2 semaphore(%arg20 : memref<!tpu.dma_semaphore, #tpu.memory_space<semaphore_mem>>) src(%dma_wait3A_850 : memref<128x32xf32, #tpu.memory_space<vmem>>) dst(%dma_wait3A_846 : memref<128x32xf32, #tpu.memory_space<hbm>>)
      %add3A_851 = arith.constant 4 : i32
      %add3A_852 = arith.addi %add3A_803, %add3A_851 : i32
      %dma_start3A_853 = arith.constant 5 : i32
      %dma_start3A_854 = arith.constant 0 : i32
      %dma_start3A_855 = arith.constant 0 : i32
      %dma_start3A_856 = tpu.memref_slice %arg6[%dma_start3A_853, %dma_start3A_854, %dma_start3A_855] : memref<8x128x32xf32, #tpu.memory_space<vmem>> -> memref<1x128x32xf32, #tpu.memory_space<vmem>>
      %dma_start3A_857 = tpu.memref_squeeze %dma_start3A_856 : memref<1x128x32xf32, #tpu.memory_space<vmem>> -> memref<128x32xf32, #tpu.memory_space<vmem>>
      %dma_start3A_858 = arith.constant 0 : i32
      %dma_start3A_859 = tpu.memref_slice %arg5[%add3A_852, %dma_start3A_858] : memref<200x128xi32, #tpu.memory_space<vmem>> -> memref<1x128xi32, #tpu.memory_space<vmem>>
      %dma_start3A_860 = tpu.memref_squeeze %dma_start3A_859 : memref<1x128xi32, #tpu.memory_space<vmem>> -> memref<128xi32, #tpu.memory_space<vmem>>
      %dma_start3A_861 = arith.constant 0 : i32
      %dma_start3A_862 = arith.constant 0 : i32
      %dma_start3A_863 = tpu.memref_slice %arg3[%dma_start3A_861, %dma_start3A_862] : memref<1000000x32xf32, #tpu.memory_space<hbm>> -> memref<1000000x32xf32, #tpu.memory_space<hbm>>
      tpu.enqueue_indirect_dma source(%dma_start3A_863 : memref<1000000x32xf32, #tpu.memory_space<hbm>>) target(%dma_start3A_857 : memref<128x32xf32, #tpu.memory_space<vmem>>) offsets(%dma_start3A_860 : memref<128xi32, #tpu.memory_space<vmem>>) semaphore(%arg12 : memref<!tpu.dma_semaphore, #tpu.memory_space<semaphore_mem>>)
      %add3A_864 = arith.constant 6 : i32
      %add3A_865 = arith.addi %add3A_491, %add3A_864 : i32
      %dma_wait3A_866 = arith.constant 0 : i32
      %dma_wait3A_867 = arith.constant 2 : i32
      %dma_wait3A_868 = arith.constant 0 : i32
      %dma_wait3A_869 = arith.constant 0 : i32
      %dma_wait3A_870 = tpu.memref_slice %arg6[%dma_wait3A_867, %dma_wait3A_868, %dma_wait3A_869] : memref<8x128x32xf32, #tpu.memory_space<vmem>> -> memref<1x128x32xf32, #tpu.memory_space<vmem>>
      %dma_wait3A_871 = tpu.memref_squeeze %dma_wait3A_870 : memref<1x128x32xf32, #tpu.memory_space<vmem>> -> memref<128x32xf32, #tpu.memory_space<vmem>>
      %dma_wait3A_872 = arith.constant 0 : i32
      %dma_wait3A_873 = tpu.memref_slice %arg5[%dma_wait3A_866, %dma_wait3A_872] : memref<200x128xi32, #tpu.memory_space<vmem>> -> memref<1x128xi32, #tpu.memory_space<vmem>>
      %dma_wait3A_874 = tpu.memref_squeeze %dma_wait3A_873 : memref<1x128xi32, #tpu.memory_space<vmem>> -> memref<128xi32, #tpu.memory_space<vmem>>
      %dma_wait3A_875 = arith.constant 0 : i32
      %dma_wait3A_876 = arith.constant 0 : i32
      %dma_wait3A_877 = tpu.memref_slice %arg3[%dma_wait3A_875, %dma_wait3A_876] : memref<1000000x32xf32, #tpu.memory_space<hbm>> -> memref<1000000x32xf32, #tpu.memory_space<hbm>>
      tpu.wait_indirect_dma semaphore(%arg9 : memref<!tpu.dma_semaphore, #tpu.memory_space<semaphore_mem>>) src(%dma_wait3A_877 : memref<1000000x32xf32, #tpu.memory_space<hbm>>) dst(%dma_wait3A_871 : memref<128x32xf32, #tpu.memory_space<vmem>>)
      %dma_start3A_878 = arith.constant 2 : i32
      %dma_start3A_879 = arith.constant 0 : i32
      %dma_start3A_880 = arith.constant 0 : i32
      %dma_start3A_881 = tpu.memref_slice %arg6[%dma_start3A_878, %dma_start3A_879, %dma_start3A_880] : memref<8x128x32xf32, #tpu.memory_space<vmem>> -> memref<1x128x32xf32, #tpu.memory_space<vmem>>
      %dma_start3A_882 = tpu.memref_squeeze %dma_start3A_881 : memref<1x128x32xf32, #tpu.memory_space<vmem>> -> memref<128x32xf32, #tpu.memory_space<vmem>>
      %dma_start3A_883 = arith.constant 0 : i32
      %dma_start3A_884 = arith.constant 0 : i32
      %dma_start3A_885 = tpu.memref_slice %arg4[%add3A, %add3A_865, %dma_start3A_883, %dma_start3A_884] : memref<32x200x128x32xf32, #tpu.memory_space<hbm>> -> memref<1x1x128x32xf32, #tpu.memory_space<hbm>>
      %dma_start3A_886 = tpu.memref_squeeze %dma_start3A_885 : memref<1x1x128x32xf32, #tpu.memory_space<hbm>> -> memref<128x32xf32, #tpu.memory_space<hbm>>
      %dma_start3A_887 = arith.constant 0 : i32
      %dma_start3A_888 = arith.constant 0 : i32
      %dma_start3A_889 = tpu.memref_slice %arg4[%add3A, %add3A_865, %dma_start3A_887, %dma_start3A_888] : memref<32x200x128x32xf32, #tpu.memory_space<hbm>> -> memref<1x1x128x32xf32, #tpu.memory_space<hbm>>
      %dma_start3A_890 = tpu.memref_squeeze %dma_start3A_889 : memref<1x1x128x32xf32, #tpu.memory_space<hbm>> -> memref<128x32xf32, #tpu.memory_space<hbm>>
      %dma_start3A_891 = arith.constant 0 : i32
      %dma_start3A_892 = arith.constant 0 : i32
      %dma_start3A_893 = tpu.memref_slice %arg6[%dma_start3A_878, %dma_start3A_891, %dma_start3A_892] : memref<8x128x32xf32, #tpu.memory_space<vmem>> -> memref<1x128x32xf32, #tpu.memory_space<vmem>>
      %dma_start3A_894 = tpu.memref_squeeze %dma_start3A_893 : memref<1x128x32xf32, #tpu.memory_space<vmem>> -> memref<128x32xf32, #tpu.memory_space<vmem>>
      tpu.enqueue_dma source(%dma_start3A_894 : memref<128x32xf32, #tpu.memory_space<vmem>>) target(%dma_start3A_890 : memref<128x32xf32, #tpu.memory_space<hbm>>) target_semaphore(%arg17 : memref<!tpu.dma_semaphore, #tpu.memory_space<semaphore_mem>>)
      %dma_wait3A_895 = arith.constant 6 : i32
      %dma_wait3A_896 = arith.constant 0 : i32
      %dma_wait3A_897 = arith.constant 0 : i32
      %dma_wait3A_898 = arith.constant 0 : i32
      %dma_wait3A_899 = tpu.memref_slice %arg6[%dma_wait3A_895, %dma_wait3A_897, %dma_wait3A_898] : memref<8x128x32xf32, #tpu.memory_space<vmem>> -> memref<1x128x32xf32, #tpu.memory_space<vmem>>
      %dma_wait3A_900 = tpu.memref_squeeze %dma_wait3A_899 : memref<1x128x32xf32, #tpu.memory_space<vmem>> -> memref<128x32xf32, #tpu.memory_space<vmem>>
      %dma_wait3A_901 = arith.constant 0 : i32
      %dma_wait3A_902 = arith.constant 0 : i32
      %dma_wait3A_903 = tpu.memref_slice %arg4[%add3A, %dma_wait3A_896, %dma_wait3A_901, %dma_wait3A_902] : memref<32x200x128x32xf32, #tpu.memory_space<hbm>> -> memref<1x1x128x32xf32, #tpu.memory_space<hbm>>
      %dma_wait3A_904 = tpu.memref_squeeze %dma_wait3A_903 : memref<1x1x128x32xf32, #tpu.memory_space<hbm>> -> memref<128x32xf32, #tpu.memory_space<hbm>>
      %dma_wait3A_905 = arith.constant 0 : i32
      %dma_wait3A_906 = arith.constant 0 : i32
      %dma_wait3A_907 = tpu.memref_slice %arg4[%add3A, %dma_wait3A_896, %dma_wait3A_905, %dma_wait3A_906] : memref<32x200x128x32xf32, #tpu.memory_space<hbm>> -> memref<1x1x128x32xf32, #tpu.memory_space<hbm>>
      %dma_wait3A_908 = tpu.memref_squeeze %dma_wait3A_907 : memref<1x1x128x32xf32, #tpu.memory_space<hbm>> -> memref<128x32xf32, #tpu.memory_space<hbm>>
      %dma_wait3A_909 = arith.constant 0 : i32
      %dma_wait3A_910 = arith.constant 0 : i32
      %dma_wait3A_911 = tpu.memref_slice %arg6[%dma_wait3A_895, %dma_wait3A_909, %dma_wait3A_910] : memref<8x128x32xf32, #tpu.memory_space<vmem>> -> memref<1x128x32xf32, #tpu.memory_space<vmem>>
      %dma_wait3A_912 = tpu.memref_squeeze %dma_wait3A_911 : memref<1x128x32xf32, #tpu.memory_space<vmem>> -> memref<128x32xf32, #tpu.memory_space<vmem>>
      tpu.wait_dma2 semaphore(%arg21 : memref<!tpu.dma_semaphore, #tpu.memory_space<semaphore_mem>>) src(%dma_wait3A_912 : memref<128x32xf32, #tpu.memory_space<vmem>>) dst(%dma_wait3A_908 : memref<128x32xf32, #tpu.memory_space<hbm>>)
      %add3A_913 = arith.constant 4 : i32
      %add3A_914 = arith.addi %add3A_865, %add3A_913 : i32
      %dma_start3A_915 = arith.constant 6 : i32
      %dma_start3A_916 = arith.constant 0 : i32
      %dma_start3A_917 = arith.constant 0 : i32
      %dma_start3A_918 = tpu.memref_slice %arg6[%dma_start3A_915, %dma_start3A_916, %dma_start3A_917] : memref<8x128x32xf32, #tpu.memory_space<vmem>> -> memref<1x128x32xf32, #tpu.memory_space<vmem>>
      %dma_start3A_919 = tpu.memref_squeeze %dma_start3A_918 : memref<1x128x32xf32, #tpu.memory_space<vmem>> -> memref<128x32xf32, #tpu.memory_space<vmem>>
      %dma_start3A_920 = arith.constant 0 : i32
      %dma_start3A_921 = tpu.memref_slice %arg5[%add3A_914, %dma_start3A_920] : memref<200x128xi32, #tpu.memory_space<vmem>> -> memref<1x128xi32, #tpu.memory_space<vmem>>
      %dma_start3A_922 = tpu.memref_squeeze %dma_start3A_921 : memref<1x128xi32, #tpu.memory_space<vmem>> -> memref<128xi32, #tpu.memory_space<vmem>>
      %dma_start3A_923 = arith.constant 0 : i32
      %dma_start3A_924 = arith.constant 0 : i32
      %dma_start3A_925 = tpu.memref_slice %arg3[%dma_start3A_923, %dma_start3A_924] : memref<1000000x32xf32, #tpu.memory_space<hbm>> -> memref<1000000x32xf32, #tpu.memory_space<hbm>>
      tpu.enqueue_indirect_dma source(%dma_start3A_925 : memref<1000000x32xf32, #tpu.memory_space<hbm>>) target(%dma_start3A_919 : memref<128x32xf32, #tpu.memory_space<vmem>>) offsets(%dma_start3A_922 : memref<128xi32, #tpu.memory_space<vmem>>) semaphore(%arg13 : memref<!tpu.dma_semaphore, #tpu.memory_space<semaphore_mem>>)
      %add3A_926 = arith.constant 7 : i32
      %add3A_927 = arith.addi %add3A_491, %add3A_926 : i32
      %dma_wait3A_928 = arith.constant 0 : i32
      %dma_wait3A_929 = arith.constant 3 : i32
      %dma_wait3A_930 = arith.constant 0 : i32
      %dma_wait3A_931 = arith.constant 0 : i32
      %dma_wait3A_932 = tpu.memref_slice %arg6[%dma_wait3A_929, %dma_wait3A_930, %dma_wait3A_931] : memref<8x128x32xf32, #tpu.memory_space<vmem>> -> memref<1x128x32xf32, #tpu.memory_space<vmem>>
      %dma_wait3A_933 = tpu.memref_squeeze %dma_wait3A_932 : memref<1x128x32xf32, #tpu.memory_space<vmem>> -> memref<128x32xf32, #tpu.memory_space<vmem>>
      %dma_wait3A_934 = arith.constant 0 : i32
      %dma_wait3A_935 = tpu.memref_slice %arg5[%dma_wait3A_928, %dma_wait3A_934] : memref<200x128xi32, #tpu.memory_space<vmem>> -> memref<1x128xi32, #tpu.memory_space<vmem>>
      %dma_wait3A_936 = tpu.memref_squeeze %dma_wait3A_935 : memref<1x128xi32, #tpu.memory_space<vmem>> -> memref<128xi32, #tpu.memory_space<vmem>>
      %dma_wait3A_937 = arith.constant 0 : i32
      %dma_wait3A_938 = arith.constant 0 : i32
      %dma_wait3A_939 = tpu.memref_slice %arg3[%dma_wait3A_937, %dma_wait3A_938] : memref<1000000x32xf32, #tpu.memory_space<hbm>> -> memref<1000000x32xf32, #tpu.memory_space<hbm>>
      tpu.wait_indirect_dma semaphore(%arg10 : memref<!tpu.dma_semaphore, #tpu.memory_space<semaphore_mem>>) src(%dma_wait3A_939 : memref<1000000x32xf32, #tpu.memory_space<hbm>>) dst(%dma_wait3A_933 : memref<128x32xf32, #tpu.memory_space<vmem>>)
      %dma_start3A_940 = arith.constant 3 : i32
      %dma_start3A_941 = arith.constant 0 : i32
      %dma_start3A_942 = arith.constant 0 : i32
      %dma_start3A_943 = tpu.memref_slice %arg6[%dma_start3A_940, %dma_start3A_941, %dma_start3A_942] : memref<8x128x32xf32, #tpu.memory_space<vmem>> -> memref<1x128x32xf32, #tpu.memory_space<vmem>>
      %dma_start3A_944 = tpu.memref_squeeze %dma_start3A_943 : memref<1x128x32xf32, #tpu.memory_space<vmem>> -> memref<128x32xf32, #tpu.memory_space<vmem>>
      %dma_start3A_945 = arith.constant 0 : i32
      %dma_start3A_946 = arith.constant 0 : i32
      %dma_start3A_947 = tpu.memref_slice %arg4[%add3A, %add3A_927, %dma_start3A_945, %dma_start3A_946] : memref<32x200x128x32xf32, #tpu.memory_space<hbm>> -> memref<1x1x128x32xf32, #tpu.memory_space<hbm>>
      %dma_start3A_948 = tpu.memref_squeeze %dma_start3A_947 : memref<1x1x128x32xf32, #tpu.memory_space<hbm>> -> memref<128x32xf32, #tpu.memory_space<hbm>>
      %dma_start3A_949 = arith.constant 0 : i32
      %dma_start3A_950 = arith.constant 0 : i32
      %dma_start3A_951 = tpu.memref_slice %arg4[%add3A, %add3A_927, %dma_start3A_949, %dma_start3A_950] : memref<32x200x128x32xf32, #tpu.memory_space<hbm>> -> memref<1x1x128x32xf32, #tpu.memory_space<hbm>>
      %dma_start3A_952 = tpu.memref_squeeze %dma_start3A_951 : memref<1x1x128x32xf32, #tpu.memory_space<hbm>> -> memref<128x32xf32, #tpu.memory_space<hbm>>
      %dma_start3A_953 = arith.constant 0 : i32
      %dma_start3A_954 = arith.constant 0 : i32
      %dma_start3A_955 = tpu.memref_slice %arg6[%dma_start3A_940, %dma_start3A_953, %dma_start3A_954] : memref<8x128x32xf32, #tpu.memory_space<vmem>> -> memref<1x128x32xf32, #tpu.memory_space<vmem>>
      %dma_start3A_956 = tpu.memref_squeeze %dma_start3A_955 : memref<1x128x32xf32, #tpu.memory_space<vmem>> -> memref<128x32xf32, #tpu.memory_space<vmem>>
      tpu.enqueue_dma source(%dma_start3A_956 : memref<128x32xf32, #tpu.memory_space<vmem>>) target(%dma_start3A_952 : memref<128x32xf32, #tpu.memory_space<hbm>>) target_semaphore(%arg18 : memref<!tpu.dma_semaphore, #tpu.memory_space<semaphore_mem>>)
      %dma_wait3A_957 = arith.constant 7 : i32
      %dma_wait3A_958 = arith.constant 0 : i32
      %dma_wait3A_959 = arith.constant 0 : i32
      %dma_wait3A_960 = arith.constant 0 : i32
      %dma_wait3A_961 = tpu.memref_slice %arg6[%dma_wait3A_957, %dma_wait3A_959, %dma_wait3A_960] : memref<8x128x32xf32, #tpu.memory_space<vmem>> -> memref<1x128x32xf32, #tpu.memory_space<vmem>>
      %dma_wait3A_962 = tpu.memref_squeeze %dma_wait3A_961 : memref<1x128x32xf32, #tpu.memory_space<vmem>> -> memref<128x32xf32, #tpu.memory_space<vmem>>
      %dma_wait3A_963 = arith.constant 0 : i32
      %dma_wait3A_964 = arith.constant 0 : i32
      %dma_wait3A_965 = tpu.memref_slice %arg4[%add3A, %dma_wait3A_958, %dma_wait3A_963, %dma_wait3A_964] : memref<32x200x128x32xf32, #tpu.memory_space<hbm>> -> memref<1x1x128x32xf32, #tpu.memory_space<hbm>>
      %dma_wait3A_966 = tpu.memref_squeeze %dma_wait3A_965 : memref<1x1x128x32xf32, #tpu.memory_space<hbm>> -> memref<128x32xf32, #tpu.memory_space<hbm>>
      %dma_wait3A_967 = arith.constant 0 : i32
      %dma_wait3A_968 = arith.constant 0 : i32
      %dma_wait3A_969 = tpu.memref_slice %arg4[%add3A, %dma_wait3A_958, %dma_wait3A_967, %dma_wait3A_968] : memref<32x200x128x32xf32, #tpu.memory_space<hbm>> -> memref<1x1x128x32xf32, #tpu.memory_space<hbm>>
      %dma_wait3A_970 = tpu.memref_squeeze %dma_wait3A_969 : memref<1x1x128x32xf32, #tpu.memory_space<hbm>> -> memref<128x32xf32, #tpu.memory_space<hbm>>
      %dma_wait3A_971 = arith.constant 0 : i32
      %dma_wait3A_972 = arith.constant 0 : i32
      %dma_wait3A_973 = tpu.memref_slice %arg6[%dma_wait3A_957, %dma_wait3A_971, %dma_wait3A_972] : memref<8x128x32xf32, #tpu.memory_space<vmem>> -> memref<1x128x32xf32, #tpu.memory_space<vmem>>
      %dma_wait3A_974 = tpu.memref_squeeze %dma_wait3A_973 : memref<1x128x32xf32, #tpu.memory_space<vmem>> -> memref<128x32xf32, #tpu.memory_space<vmem>>
      tpu.wait_dma2 semaphore(%arg22 : memref<!tpu.dma_semaphore, #tpu.memory_space<semaphore_mem>>) src(%dma_wait3A_974 : memref<128x32xf32, #tpu.memory_space<vmem>>) dst(%dma_wait3A_970 : memref<128x32xf32, #tpu.memory_space<hbm>>)
      %add3A_975 = arith.constant 4 : i32
      %add3A_976 = arith.addi %add3A_927, %add3A_975 : i32
      %dma_start3A_977 = arith.constant 7 : i32
      %dma_start3A_978 = arith.constant 0 : i32
      %dma_start3A_979 = arith.constant 0 : i32
      %dma_start3A_980 = tpu.memref_slice %arg6[%dma_start3A_977, %dma_start3A_978, %dma_start3A_979] : memref<8x128x32xf32, #tpu.memory_space<vmem>> -> memref<1x128x32xf32, #tpu.memory_space<vmem>>
      %dma_start3A_981 = tpu.memref_squeeze %dma_start3A_980 : memref<1x128x32xf32, #tpu.memory_space<vmem>> -> memref<128x32xf32, #tpu.memory_space<vmem>>
      %dma_start3A_982 = arith.constant 0 : i32
      %dma_start3A_983 = tpu.memref_slice %arg5[%add3A_976, %dma_start3A_982] : memref<200x128xi32, #tpu.memory_space<vmem>> -> memref<1x128xi32, #tpu.memory_space<vmem>>
      %dma_start3A_984 = tpu.memref_squeeze %dma_start3A_983 : memref<1x128xi32, #tpu.memory_space<vmem>> -> memref<128xi32, #tpu.memory_space<vmem>>
      %dma_start3A_985 = arith.constant 0 : i32
      %dma_start3A_986 = arith.constant 0 : i32
      %dma_start3A_987 = tpu.memref_slice %arg3[%dma_start3A_985, %dma_start3A_986] : memref<1000000x32xf32, #tpu.memory_space<hbm>> -> memref<1000000x32xf32, #tpu.memory_space<hbm>>
      tpu.enqueue_indirect_dma source(%dma_start3A_987 : memref<1000000x32xf32, #tpu.memory_space<hbm>>) target(%dma_start3A_981 : memref<128x32xf32, #tpu.memory_space<vmem>>) offsets(%dma_start3A_984 : memref<128xi32, #tpu.memory_space<vmem>>) semaphore(%arg14 : memref<!tpu.dma_semaphore, #tpu.memory_space<semaphore_mem>>)
    }
    %scan3A_218 = arith.constant 24 : i32
    %dma_wait3A_219 = arith.constant 0 : i32
    %dma_wait3A_220 = arith.constant 4 : i32
    %dma_wait3A_221 = arith.constant 0 : i32
    %dma_wait3A_222 = arith.constant 0 : i32
    %dma_wait3A_223 = tpu.memref_slice %arg6[%dma_wait3A_220, %dma_wait3A_221, %dma_wait3A_222] : memref<8x128x32xf32, #tpu.memory_space<vmem>> -> memref<1x128x32xf32, #tpu.memory_space<vmem>>
    %dma_wait3A_224 = tpu.memref_squeeze %dma_wait3A_223 : memref<1x128x32xf32, #tpu.memory_space<vmem>> -> memref<128x32xf32, #tpu.memory_space<vmem>>
    %dma_wait3A_225 = arith.constant 0 : i32
    %dma_wait3A_226 = tpu.memref_slice %arg5[%dma_wait3A_219, %dma_wait3A_225] : memref<200x128xi32, #tpu.memory_space<vmem>> -> memref<1x128xi32, #tpu.memory_space<vmem>>
    %dma_wait3A_227 = tpu.memref_squeeze %dma_wait3A_226 : memref<1x128xi32, #tpu.memory_space<vmem>> -> memref<128xi32, #tpu.memory_space<vmem>>
    %dma_wait3A_228 = arith.constant 0 : i32
    %dma_wait3A_229 = arith.constant 0 : i32
    %dma_wait3A_230 = tpu.memref_slice %arg3[%dma_wait3A_228, %dma_wait3A_229] : memref<1000000x32xf32, #tpu.memory_space<hbm>> -> memref<1000000x32xf32, #tpu.memory_space<hbm>>
    tpu.wait_indirect_dma semaphore(%arg11 : memref<!tpu.dma_semaphore, #tpu.memory_space<semaphore_mem>>) src(%dma_wait3A_230 : memref<1000000x32xf32, #tpu.memory_space<hbm>>) dst(%dma_wait3A_224 : memref<128x32xf32, #tpu.memory_space<vmem>>)
    %dma_start3A_231 = arith.constant 4 : i32
    %dma_start3A_232 = arith.constant 196 : i32
    %dma_start3A_233 = arith.constant 0 : i32
    %dma_start3A_234 = arith.constant 0 : i32
    %dma_start3A_235 = tpu.memref_slice %arg6[%dma_start3A_231, %dma_start3A_233, %dma_start3A_234] : memref<8x128x32xf32, #tpu.memory_space<vmem>> -> memref<1x128x32xf32, #tpu.memory_space<vmem>>
    %dma_start3A_236 = tpu.memref_squeeze %dma_start3A_235 : memref<1x128x32xf32, #tpu.memory_space<vmem>> -> memref<128x32xf32, #tpu.memory_space<vmem>>
    %dma_start3A_237 = arith.constant 0 : i32
    %dma_start3A_238 = arith.constant 0 : i32
    %dma_start3A_239 = tpu.memref_slice %arg4[%add3A, %dma_start3A_232, %dma_start3A_237, %dma_start3A_238] : memref<32x200x128x32xf32, #tpu.memory_space<hbm>> -> memref<1x1x128x32xf32, #tpu.memory_space<hbm>>
    %dma_start3A_240 = tpu.memref_squeeze %dma_start3A_239 : memref<1x1x128x32xf32, #tpu.memory_space<hbm>> -> memref<128x32xf32, #tpu.memory_space<hbm>>
    %dma_start3A_241 = arith.constant 0 : i32
    %dma_start3A_242 = arith.constant 0 : i32
    %dma_start3A_243 = tpu.memref_slice %arg4[%add3A, %dma_start3A_232, %dma_start3A_241, %dma_start3A_242] : memref<32x200x128x32xf32, #tpu.memory_space<hbm>> -> memref<1x1x128x32xf32, #tpu.memory_space<hbm>>
    %dma_start3A_244 = tpu.memref_squeeze %dma_start3A_243 : memref<1x1x128x32xf32, #tpu.memory_space<hbm>> -> memref<128x32xf32, #tpu.memory_space<hbm>>
    %dma_start3A_245 = arith.constant 0 : i32
    %dma_start3A_246 = arith.constant 0 : i32
    %dma_start3A_247 = tpu.memref_slice %arg6[%dma_start3A_231, %dma_start3A_245, %dma_start3A_246] : memref<8x128x32xf32, #tpu.memory_space<vmem>> -> memref<1x128x32xf32, #tpu.memory_space<vmem>>
    %dma_start3A_248 = tpu.memref_squeeze %dma_start3A_247 : memref<1x128x32xf32, #tpu.memory_space<vmem>> -> memref<128x32xf32, #tpu.memory_space<vmem>>
    tpu.enqueue_dma source(%dma_start3A_248 : memref<128x32xf32, #tpu.memory_space<vmem>>) target(%dma_start3A_244 : memref<128x32xf32, #tpu.memory_space<hbm>>) target_semaphore(%arg19 : memref<!tpu.dma_semaphore, #tpu.memory_space<semaphore_mem>>)
    %dma_wait3A_249 = arith.constant 0 : i32
    %dma_wait3A_250 = arith.constant 5 : i32
    %dma_wait3A_251 = arith.constant 0 : i32
    %dma_wait3A_252 = arith.constant 0 : i32
    %dma_wait3A_253 = tpu.memref_slice %arg6[%dma_wait3A_250, %dma_wait3A_251, %dma_wait3A_252] : memref<8x128x32xf32, #tpu.memory_space<vmem>> -> memref<1x128x32xf32, #tpu.memory_space<vmem>>
    %dma_wait3A_254 = tpu.memref_squeeze %dma_wait3A_253 : memref<1x128x32xf32, #tpu.memory_space<vmem>> -> memref<128x32xf32, #tpu.memory_space<vmem>>
    %dma_wait3A_255 = arith.constant 0 : i32
    %dma_wait3A_256 = tpu.memref_slice %arg5[%dma_wait3A_249, %dma_wait3A_255] : memref<200x128xi32, #tpu.memory_space<vmem>> -> memref<1x128xi32, #tpu.memory_space<vmem>>
    %dma_wait3A_257 = tpu.memref_squeeze %dma_wait3A_256 : memref<1x128xi32, #tpu.memory_space<vmem>> -> memref<128xi32, #tpu.memory_space<vmem>>
    %dma_wait3A_258 = arith.constant 0 : i32
    %dma_wait3A_259 = arith.constant 0 : i32
    %dma_wait3A_260 = tpu.memref_slice %arg3[%dma_wait3A_258, %dma_wait3A_259] : memref<1000000x32xf32, #tpu.memory_space<hbm>> -> memref<1000000x32xf32, #tpu.memory_space<hbm>>
    tpu.wait_indirect_dma semaphore(%arg12 : memref<!tpu.dma_semaphore, #tpu.memory_space<semaphore_mem>>) src(%dma_wait3A_260 : memref<1000000x32xf32, #tpu.memory_space<hbm>>) dst(%dma_wait3A_254 : memref<128x32xf32, #tpu.memory_space<vmem>>)
    %dma_start3A_261 = arith.constant 5 : i32
    %dma_start3A_262 = arith.constant 197 : i32
    %dma_start3A_263 = arith.constant 0 : i32
    %dma_start3A_264 = arith.constant 0 : i32
    %dma_start3A_265 = tpu.memref_slice %arg6[%dma_start3A_261, %dma_start3A_263, %dma_start3A_264] : memref<8x128x32xf32, #tpu.memory_space<vmem>> -> memref<1x128x32xf32, #tpu.memory_space<vmem>>
    %dma_start3A_266 = tpu.memref_squeeze %dma_start3A_265 : memref<1x128x32xf32, #tpu.memory_space<vmem>> -> memref<128x32xf32, #tpu.memory_space<vmem>>
    %dma_start3A_267 = arith.constant 0 : i32
    %dma_start3A_268 = arith.constant 0 : i32
    %dma_start3A_269 = tpu.memref_slice %arg4[%add3A, %dma_start3A_262, %dma_start3A_267, %dma_start3A_268] : memref<32x200x128x32xf32, #tpu.memory_space<hbm>> -> memref<1x1x128x32xf32, #tpu.memory_space<hbm>>
    %dma_start3A_270 = tpu.memref_squeeze %dma_start3A_269 : memref<1x1x128x32xf32, #tpu.memory_space<hbm>> -> memref<128x32xf32, #tpu.memory_space<hbm>>
    %dma_start3A_271 = arith.constant 0 : i32
    %dma_start3A_272 = arith.constant 0 : i32
    %dma_start3A_273 = tpu.memref_slice %arg4[%add3A, %dma_start3A_262, %dma_start3A_271, %dma_start3A_272] : memref<32x200x128x32xf32, #tpu.memory_space<hbm>> -> memref<1x1x128x32xf32, #tpu.memory_space<hbm>>
    %dma_start3A_274 = tpu.memref_squeeze %dma_start3A_273 : memref<1x1x128x32xf32, #tpu.memory_space<hbm>> -> memref<128x32xf32, #tpu.memory_space<hbm>>
    %dma_start3A_275 = arith.constant 0 : i32
    %dma_start3A_276 = arith.constant 0 : i32
    %dma_start3A_277 = tpu.memref_slice %arg6[%dma_start3A_261, %dma_start3A_275, %dma_start3A_276] : memref<8x128x32xf32, #tpu.memory_space<vmem>> -> memref<1x128x32xf32, #tpu.memory_space<vmem>>
    %dma_start3A_278 = tpu.memref_squeeze %dma_start3A_277 : memref<1x128x32xf32, #tpu.memory_space<vmem>> -> memref<128x32xf32, #tpu.memory_space<vmem>>
    tpu.enqueue_dma source(%dma_start3A_278 : memref<128x32xf32, #tpu.memory_space<vmem>>) target(%dma_start3A_274 : memref<128x32xf32, #tpu.memory_space<hbm>>) target_semaphore(%arg20 : memref<!tpu.dma_semaphore, #tpu.memory_space<semaphore_mem>>)
    %dma_wait3A_279 = arith.constant 0 : i32
    %dma_wait3A_280 = arith.constant 6 : i32
    %dma_wait3A_281 = arith.constant 0 : i32
    %dma_wait3A_282 = arith.constant 0 : i32
    %dma_wait3A_283 = tpu.memref_slice %arg6[%dma_wait3A_280, %dma_wait3A_281, %dma_wait3A_282] : memref<8x128x32xf32, #tpu.memory_space<vmem>> -> memref<1x128x32xf32, #tpu.memory_space<vmem>>
    %dma_wait3A_284 = tpu.memref_squeeze %dma_wait3A_283 : memref<1x128x32xf32, #tpu.memory_space<vmem>> -> memref<128x32xf32, #tpu.memory_space<vmem>>
    %dma_wait3A_285 = arith.constant 0 : i32
    %dma_wait3A_286 = tpu.memref_slice %arg5[%dma_wait3A_279, %dma_wait3A_285] : memref<200x128xi32, #tpu.memory_space<vmem>> -> memref<1x128xi32, #tpu.memory_space<vmem>>
    %dma_wait3A_287 = tpu.memref_squeeze %dma_wait3A_286 : memref<1x128xi32, #tpu.memory_space<vmem>> -> memref<128xi32, #tpu.memory_space<vmem>>
    %dma_wait3A_288 = arith.constant 0 : i32
    %dma_wait3A_289 = arith.constant 0 : i32
    %dma_wait3A_290 = tpu.memref_slice %arg3[%dma_wait3A_288, %dma_wait3A_289] : memref<1000000x32xf32, #tpu.memory_space<hbm>> -> memref<1000000x32xf32, #tpu.memory_space<hbm>>
    tpu.wait_indirect_dma semaphore(%arg13 : memref<!tpu.dma_semaphore, #tpu.memory_space<semaphore_mem>>) src(%dma_wait3A_290 : memref<1000000x32xf32, #tpu.memory_space<hbm>>) dst(%dma_wait3A_284 : memref<128x32xf32, #tpu.memory_space<vmem>>)
    %dma_start3A_291 = arith.constant 6 : i32
    %dma_start3A_292 = arith.constant 198 : i32
    %dma_start3A_293 = arith.constant 0 : i32
    %dma_start3A_294 = arith.constant 0 : i32
    %dma_start3A_295 = tpu.memref_slice %arg6[%dma_start3A_291, %dma_start3A_293, %dma_start3A_294] : memref<8x128x32xf32, #tpu.memory_space<vmem>> -> memref<1x128x32xf32, #tpu.memory_space<vmem>>
    %dma_start3A_296 = tpu.memref_squeeze %dma_start3A_295 : memref<1x128x32xf32, #tpu.memory_space<vmem>> -> memref<128x32xf32, #tpu.memory_space<vmem>>
    %dma_start3A_297 = arith.constant 0 : i32
    %dma_start3A_298 = arith.constant 0 : i32
    %dma_start3A_299 = tpu.memref_slice %arg4[%add3A, %dma_start3A_292, %dma_start3A_297, %dma_start3A_298] : memref<32x200x128x32xf32, #tpu.memory_space<hbm>> -> memref<1x1x128x32xf32, #tpu.memory_space<hbm>>
    %dma_start3A_300 = tpu.memref_squeeze %dma_start3A_299 : memref<1x1x128x32xf32, #tpu.memory_space<hbm>> -> memref<128x32xf32, #tpu.memory_space<hbm>>
    %dma_start3A_301 = arith.constant 0 : i32
    %dma_start3A_302 = arith.constant 0 : i32
    %dma_start3A_303 = tpu.memref_slice %arg4[%add3A, %dma_start3A_292, %dma_start3A_301, %dma_start3A_302] : memref<32x200x128x32xf32, #tpu.memory_space<hbm>> -> memref<1x1x128x32xf32, #tpu.memory_space<hbm>>
    %dma_start3A_304 = tpu.memref_squeeze %dma_start3A_303 : memref<1x1x128x32xf32, #tpu.memory_space<hbm>> -> memref<128x32xf32, #tpu.memory_space<hbm>>
    %dma_start3A_305 = arith.constant 0 : i32
    %dma_start3A_306 = arith.constant 0 : i32
    %dma_start3A_307 = tpu.memref_slice %arg6[%dma_start3A_291, %dma_start3A_305, %dma_start3A_306] : memref<8x128x32xf32, #tpu.memory_space<vmem>> -> memref<1x128x32xf32, #tpu.memory_space<vmem>>
    %dma_start3A_308 = tpu.memref_squeeze %dma_start3A_307 : memref<1x128x32xf32, #tpu.memory_space<vmem>> -> memref<128x32xf32, #tpu.memory_space<vmem>>
    tpu.enqueue_dma source(%dma_start3A_308 : memref<128x32xf32, #tpu.memory_space<vmem>>) target(%dma_start3A_304 : memref<128x32xf32, #tpu.memory_space<hbm>>) target_semaphore(%arg21 : memref<!tpu.dma_semaphore, #tpu.memory_space<semaphore_mem>>)
    %dma_wait3A_309 = arith.constant 0 : i32
    %dma_wait3A_310 = arith.constant 7 : i32
    %dma_wait3A_311 = arith.constant 0 : i32
    %dma_wait3A_312 = arith.constant 0 : i32
    %dma_wait3A_313 = tpu.memref_slice %arg6[%dma_wait3A_310, %dma_wait3A_311, %dma_wait3A_312] : memref<8x128x32xf32, #tpu.memory_space<vmem>> -> memref<1x128x32xf32, #tpu.memory_space<vmem>>
    %dma_wait3A_314 = tpu.memref_squeeze %dma_wait3A_313 : memref<1x128x32xf32, #tpu.memory_space<vmem>> -> memref<128x32xf32, #tpu.memory_space<vmem>>
    %dma_wait3A_315 = arith.constant 0 : i32
    %dma_wait3A_316 = tpu.memref_slice %arg5[%dma_wait3A_309, %dma_wait3A_315] : memref<200x128xi32, #tpu.memory_space<vmem>> -> memref<1x128xi32, #tpu.memory_space<vmem>>
    %dma_wait3A_317 = tpu.memref_squeeze %dma_wait3A_316 : memref<1x128xi32, #tpu.memory_space<vmem>> -> memref<128xi32, #tpu.memory_space<vmem>>
    %dma_wait3A_318 = arith.constant 0 : i32
    %dma_wait3A_319 = arith.constant 0 : i32
    %dma_wait3A_320 = tpu.memref_slice %arg3[%dma_wait3A_318, %dma_wait3A_319] : memref<1000000x32xf32, #tpu.memory_space<hbm>> -> memref<1000000x32xf32, #tpu.memory_space<hbm>>
    tpu.wait_indirect_dma semaphore(%arg14 : memref<!tpu.dma_semaphore, #tpu.memory_space<semaphore_mem>>) src(%dma_wait3A_320 : memref<1000000x32xf32, #tpu.memory_space<hbm>>) dst(%dma_wait3A_314 : memref<128x32xf32, #tpu.memory_space<vmem>>)
    %dma_start3A_321 = arith.constant 7 : i32
    %dma_start3A_322 = arith.constant 199 : i32
    %dma_start3A_323 = arith.constant 0 : i32
    %dma_start3A_324 = arith.constant 0 : i32
    %dma_start3A_325 = tpu.memref_slice %arg6[%dma_start3A_321, %dma_start3A_323, %dma_start3A_324] : memref<8x128x32xf32, #tpu.memory_space<vmem>> -> memref<1x128x32xf32, #tpu.memory_space<vmem>>
    %dma_start3A_326 = tpu.memref_squeeze %dma_start3A_325 : memref<1x128x32xf32, #tpu.memory_space<vmem>> -> memref<128x32xf32, #tpu.memory_space<vmem>>
    %dma_start3A_327 = arith.constant 0 : i32
    %dma_start3A_328 = arith.constant 0 : i32
    %dma_start3A_329 = tpu.memref_slice %arg4[%add3A, %dma_start3A_322, %dma_start3A_327, %dma_start3A_328] : memref<32x200x128x32xf32, #tpu.memory_space<hbm>> -> memref<1x1x128x32xf32, #tpu.memory_space<hbm>>
    %dma_start3A_330 = tpu.memref_squeeze %dma_start3A_329 : memref<1x1x128x32xf32, #tpu.memory_space<hbm>> -> memref<128x32xf32, #tpu.memory_space<hbm>>
    %dma_start3A_331 = arith.constant 0 : i32
    %dma_start3A_332 = arith.constant 0 : i32
    %dma_start3A_333 = tpu.memref_slice %arg4[%add3A, %dma_start3A_322, %dma_start3A_331, %dma_start3A_332] : memref<32x200x128x32xf32, #tpu.memory_space<hbm>> -> memref<1x1x128x32xf32, #tpu.memory_space<hbm>>
    %dma_start3A_334 = tpu.memref_squeeze %dma_start3A_333 : memref<1x1x128x32xf32, #tpu.memory_space<hbm>> -> memref<128x32xf32, #tpu.memory_space<hbm>>
    %dma_start3A_335 = arith.constant 0 : i32
    %dma_start3A_336 = arith.constant 0 : i32
    %dma_start3A_337 = tpu.memref_slice %arg6[%dma_start3A_321, %dma_start3A_335, %dma_start3A_336] : memref<8x128x32xf32, #tpu.memory_space<vmem>> -> memref<1x128x32xf32, #tpu.memory_space<vmem>>
    %dma_start3A_338 = tpu.memref_squeeze %dma_start3A_337 : memref<1x128x32xf32, #tpu.memory_space<vmem>> -> memref<128x32xf32, #tpu.memory_space<vmem>>
    tpu.enqueue_dma source(%dma_start3A_338 : memref<128x32xf32, #tpu.memory_space<vmem>>) target(%dma_start3A_334 : memref<128x32xf32, #tpu.memory_space<hbm>>) target_semaphore(%arg22 : memref<!tpu.dma_semaphore, #tpu.memory_space<semaphore_mem>>)
    %dma_wait3A_339 = arith.constant 0 : i32
    %dma_wait3A_340 = arith.constant 0 : i32
    %dma_wait3A_341 = arith.constant 0 : i32
    %dma_wait3A_342 = arith.constant 0 : i32
    %dma_wait3A_343 = tpu.memref_slice %arg6[%dma_wait3A_339, %dma_wait3A_341, %dma_wait3A_342] : memref<8x128x32xf32, #tpu.memory_space<vmem>> -> memref<1x128x32xf32, #tpu.memory_space<vmem>>
    %dma_wait3A_344 = tpu.memref_squeeze %dma_wait3A_343 : memref<1x128x32xf32, #tpu.memory_space<vmem>> -> memref<128x32xf32, #tpu.memory_space<vmem>>
    %dma_wait3A_345 = arith.constant 0 : i32
    %dma_wait3A_346 = arith.constant 0 : i32
    %dma_wait3A_347 = tpu.memref_slice %arg4[%add3A, %dma_wait3A_340, %dma_wait3A_345, %dma_wait3A_346] : memref<32x200x128x32xf32, #tpu.memory_space<hbm>> -> memref<1x1x128x32xf32, #tpu.memory_space<hbm>>
    %dma_wait3A_348 = tpu.memref_squeeze %dma_wait3A_347 : memref<1x1x128x32xf32, #tpu.memory_space<hbm>> -> memref<128x32xf32, #tpu.memory_space<hbm>>
    %dma_wait3A_349 = arith.constant 0 : i32
    %dma_wait3A_350 = arith.constant 0 : i32
    %dma_wait3A_351 = tpu.memref_slice %arg4[%add3A, %dma_wait3A_340, %dma_wait3A_349, %dma_wait3A_350] : memref<32x200x128x32xf32, #tpu.memory_space<hbm>> -> memref<1x1x128x32xf32, #tpu.memory_space<hbm>>
    %dma_wait3A_352 = tpu.memref_squeeze %dma_wait3A_351 : memref<1x1x128x32xf32, #tpu.memory_space<hbm>> -> memref<128x32xf32, #tpu.memory_space<hbm>>
    %dma_wait3A_353 = arith.constant 0 : i32
    %dma_wait3A_354 = arith.constant 0 : i32
    %dma_wait3A_355 = tpu.memref_slice %arg6[%dma_wait3A_339, %dma_wait3A_353, %dma_wait3A_354] : memref<8x128x32xf32, #tpu.memory_space<vmem>> -> memref<1x128x32xf32, #tpu.memory_space<vmem>>
    %dma_wait3A_356 = tpu.memref_squeeze %dma_wait3A_355 : memref<1x128x32xf32, #tpu.memory_space<vmem>> -> memref<128x32xf32, #tpu.memory_space<vmem>>
    tpu.wait_dma2 semaphore(%arg15 : memref<!tpu.dma_semaphore, #tpu.memory_space<semaphore_mem>>) src(%dma_wait3A_356 : memref<128x32xf32, #tpu.memory_space<vmem>>) dst(%dma_wait3A_352 : memref<128x32xf32, #tpu.memory_space<hbm>>)
    %dma_wait3A_357 = arith.constant 1 : i32
    %dma_wait3A_358 = arith.constant 0 : i32
    %dma_wait3A_359 = arith.constant 0 : i32
    %dma_wait3A_360 = arith.constant 0 : i32
    %dma_wait3A_361 = tpu.memref_slice %arg6[%dma_wait3A_357, %dma_wait3A_359, %dma_wait3A_360] : memref<8x128x32xf32, #tpu.memory_space<vmem>> -> memref<1x128x32xf32, #tpu.memory_space<vmem>>
    %dma_wait3A_362 = tpu.memref_squeeze %dma_wait3A_361 : memref<1x128x32xf32, #tpu.memory_space<vmem>> -> memref<128x32xf32, #tpu.memory_space<vmem>>
    %dma_wait3A_363 = arith.constant 0 : i32
    %dma_wait3A_364 = arith.constant 0 : i32
    %dma_wait3A_365 = tpu.memref_slice %arg4[%add3A, %dma_wait3A_358, %dma_wait3A_363, %dma_wait3A_364] : memref<32x200x128x32xf32, #tpu.memory_space<hbm>> -> memref<1x1x128x32xf32, #tpu.memory_space<hbm>>
    %dma_wait3A_366 = tpu.memref_squeeze %dma_wait3A_365 : memref<1x1x128x32xf32, #tpu.memory_space<hbm>> -> memref<128x32xf32, #tpu.memory_space<hbm>>
    %dma_wait3A_367 = arith.constant 0 : i32
    %dma_wait3A_368 = arith.constant 0 : i32
    %dma_wait3A_369 = tpu.memref_slice %arg4[%add3A, %dma_wait3A_358, %dma_wait3A_367, %dma_wait3A_368] : memref<32x200x128x32xf32, #tpu.memory_space<hbm>> -> memref<1x1x128x32xf32, #tpu.memory_space<hbm>>
    %dma_wait3A_370 = tpu.memref_squeeze %dma_wait3A_369 : memref<1x1x128x32xf32, #tpu.memory_space<hbm>> -> memref<128x32xf32, #tpu.memory_space<hbm>>
    %dma_wait3A_371 = arith.constant 0 : i32
    %dma_wait3A_372 = arith.constant 0 : i32
    %dma_wait3A_373 = tpu.memref_slice %arg6[%dma_wait3A_357, %dma_wait3A_371, %dma_wait3A_372] : memref<8x128x32xf32, #tpu.memory_space<vmem>> -> memref<1x128x32xf32, #tpu.memory_space<vmem>>
    %dma_wait3A_374 = tpu.memref_squeeze %dma_wait3A_373 : memref<1x128x32xf32, #tpu.memory_space<vmem>> -> memref<128x32xf32, #tpu.memory_space<vmem>>
    tpu.wait_dma2 semaphore(%arg16 : memref<!tpu.dma_semaphore, #tpu.memory_space<semaphore_mem>>) src(%dma_wait3A_374 : memref<128x32xf32, #tpu.memory_space<vmem>>) dst(%dma_wait3A_370 : memref<128x32xf32, #tpu.memory_space<hbm>>)
    %dma_wait3A_375 = arith.constant 2 : i32
    %dma_wait3A_376 = arith.constant 0 : i32
    %dma_wait3A_377 = arith.constant 0 : i32
    %dma_wait3A_378 = arith.constant 0 : i32
    %dma_wait3A_379 = tpu.memref_slice %arg6[%dma_wait3A_375, %dma_wait3A_377, %dma_wait3A_378] : memref<8x128x32xf32, #tpu.memory_space<vmem>> -> memref<1x128x32xf32, #tpu.memory_space<vmem>>
    %dma_wait3A_380 = tpu.memref_squeeze %dma_wait3A_379 : memref<1x128x32xf32, #tpu.memory_space<vmem>> -> memref<128x32xf32, #tpu.memory_space<vmem>>
    %dma_wait3A_381 = arith.constant 0 : i32
    %dma_wait3A_382 = arith.constant 0 : i32
    %dma_wait3A_383 = tpu.memref_slice %arg4[%add3A, %dma_wait3A_376, %dma_wait3A_381, %dma_wait3A_382] : memref<32x200x128x32xf32, #tpu.memory_space<hbm>> -> memref<1x1x128x32xf32, #tpu.memory_space<hbm>>
    %dma_wait3A_384 = tpu.memref_squeeze %dma_wait3A_383 : memref<1x1x128x32xf32, #tpu.memory_space<hbm>> -> memref<128x32xf32, #tpu.memory_space<hbm>>
    %dma_wait3A_385 = arith.constant 0 : i32
    %dma_wait3A_386 = arith.constant 0 : i32
    %dma_wait3A_387 = tpu.memref_slice %arg4[%add3A, %dma_wait3A_376, %dma_wait3A_385, %dma_wait3A_386] : memref<32x200x128x32xf32, #tpu.memory_space<hbm>> -> memref<1x1x128x32xf32, #tpu.memory_space<hbm>>
    %dma_wait3A_388 = tpu.memref_squeeze %dma_wait3A_387 : memref<1x1x128x32xf32, #tpu.memory_space<hbm>> -> memref<128x32xf32, #tpu.memory_space<hbm>>
    %dma_wait3A_389 = arith.constant 0 : i32
    %dma_wait3A_390 = arith.constant 0 : i32
    %dma_wait3A_391 = tpu.memref_slice %arg6[%dma_wait3A_375, %dma_wait3A_389, %dma_wait3A_390] : memref<8x128x32xf32, #tpu.memory_space<vmem>> -> memref<1x128x32xf32, #tpu.memory_space<vmem>>
    %dma_wait3A_392 = tpu.memref_squeeze %dma_wait3A_391 : memref<1x128x32xf32, #tpu.memory_space<vmem>> -> memref<128x32xf32, #tpu.memory_space<vmem>>
    tpu.wait_dma2 semaphore(%arg17 : memref<!tpu.dma_semaphore, #tpu.memory_space<semaphore_mem>>) src(%dma_wait3A_392 : memref<128x32xf32, #tpu.memory_space<vmem>>) dst(%dma_wait3A_388 : memref<128x32xf32, #tpu.memory_space<hbm>>)
    %dma_wait3A_393 = arith.constant 3 : i32
    %dma_wait3A_394 = arith.constant 0 : i32
    %dma_wait3A_395 = arith.constant 0 : i32
    %dma_wait3A_396 = arith.constant 0 : i32
    %dma_wait3A_397 = tpu.memref_slice %arg6[%dma_wait3A_393, %dma_wait3A_395, %dma_wait3A_396] : memref<8x128x32xf32, #tpu.memory_space<vmem>> -> memref<1x128x32xf32, #tpu.memory_space<vmem>>
    %dma_wait3A_398 = tpu.memref_squeeze %dma_wait3A_397 : memref<1x128x32xf32, #tpu.memory_space<vmem>> -> memref<128x32xf32, #tpu.memory_space<vmem>>
    %dma_wait3A_399 = arith.constant 0 : i32
    %dma_wait3A_400 = arith.constant 0 : i32
    %dma_wait3A_401 = tpu.memref_slice %arg4[%add3A, %dma_wait3A_394, %dma_wait3A_399, %dma_wait3A_400] : memref<32x200x128x32xf32, #tpu.memory_space<hbm>> -> memref<1x1x128x32xf32, #tpu.memory_space<hbm>>
    %dma_wait3A_402 = tpu.memref_squeeze %dma_wait3A_401 : memref<1x1x128x32xf32, #tpu.memory_space<hbm>> -> memref<128x32xf32, #tpu.memory_space<hbm>>
    %dma_wait3A_403 = arith.constant 0 : i32
    %dma_wait3A_404 = arith.constant 0 : i32
    %dma_wait3A_405 = tpu.memref_slice %arg4[%add3A, %dma_wait3A_394, %dma_wait3A_403, %dma_wait3A_404] : memref<32x200x128x32xf32, #tpu.memory_space<hbm>> -> memref<1x1x128x32xf32, #tpu.memory_space<hbm>>
    %dma_wait3A_406 = tpu.memref_squeeze %dma_wait3A_405 : memref<1x1x128x32xf32, #tpu.memory_space<hbm>> -> memref<128x32xf32, #tpu.memory_space<hbm>>
    %dma_wait3A_407 = arith.constant 0 : i32
    %dma_wait3A_408 = arith.constant 0 : i32
    %dma_wait3A_409 = tpu.memref_slice %arg6[%dma_wait3A_393, %dma_wait3A_407, %dma_wait3A_408] : memref<8x128x32xf32, #tpu.memory_space<vmem>> -> memref<1x128x32xf32, #tpu.memory_space<vmem>>
    %dma_wait3A_410 = tpu.memref_squeeze %dma_wait3A_409 : memref<1x128x32xf32, #tpu.memory_space<vmem>> -> memref<128x32xf32, #tpu.memory_space<vmem>>
    tpu.wait_dma2 semaphore(%arg18 : memref<!tpu.dma_semaphore, #tpu.memory_space<semaphore_mem>>) src(%dma_wait3A_410 : memref<128x32xf32, #tpu.memory_space<vmem>>) dst(%dma_wait3A_406 : memref<128x32xf32, #tpu.memory_space<hbm>>)
    %dma_wait3A_411 = arith.constant 4 : i32
    %dma_wait3A_412 = arith.constant 0 : i32
    %dma_wait3A_413 = arith.constant 0 : i32
    %dma_wait3A_414 = arith.constant 0 : i32
    %dma_wait3A_415 = tpu.memref_slice %arg6[%dma_wait3A_411, %dma_wait3A_413, %dma_wait3A_414] : memref<8x128x32xf32, #tpu.memory_space<vmem>> -> memref<1x128x32xf32, #tpu.memory_space<vmem>>
    %dma_wait3A_416 = tpu.memref_squeeze %dma_wait3A_415 : memref<1x128x32xf32, #tpu.memory_space<vmem>> -> memref<128x32xf32, #tpu.memory_space<vmem>>
    %dma_wait3A_417 = arith.constant 0 : i32
    %dma_wait3A_418 = arith.constant 0 : i32
    %dma_wait3A_419 = tpu.memref_slice %arg4[%add3A, %dma_wait3A_412, %dma_wait3A_417, %dma_wait3A_418] : memref<32x200x128x32xf32, #tpu.memory_space<hbm>> -> memref<1x1x128x32xf32, #tpu.memory_space<hbm>>
    %dma_wait3A_420 = tpu.memref_squeeze %dma_wait3A_419 : memref<1x1x128x32xf32, #tpu.memory_space<hbm>> -> memref<128x32xf32, #tpu.memory_space<hbm>>
    %dma_wait3A_421 = arith.constant 0 : i32
    %dma_wait3A_422 = arith.constant 0 : i32
    %dma_wait3A_423 = tpu.memref_slice %arg4[%add3A, %dma_wait3A_412, %dma_wait3A_421, %dma_wait3A_422] : memref<32x200x128x32xf32, #tpu.memory_space<hbm>> -> memref<1x1x128x32xf32, #tpu.memory_space<hbm>>
    %dma_wait3A_424 = tpu.memref_squeeze %dma_wait3A_423 : memref<1x1x128x32xf32, #tpu.memory_space<hbm>> -> memref<128x32xf32, #tpu.memory_space<hbm>>
    %dma_wait3A_425 = arith.constant 0 : i32
    %dma_wait3A_426 = arith.constant 0 : i32
    %dma_wait3A_427 = tpu.memref_slice %arg6[%dma_wait3A_411, %dma_wait3A_425, %dma_wait3A_426] : memref<8x128x32xf32, #tpu.memory_space<vmem>> -> memref<1x128x32xf32, #tpu.memory_space<vmem>>
    %dma_wait3A_428 = tpu.memref_squeeze %dma_wait3A_427 : memref<1x128x32xf32, #tpu.memory_space<vmem>> -> memref<128x32xf32, #tpu.memory_space<vmem>>
    tpu.wait_dma2 semaphore(%arg19 : memref<!tpu.dma_semaphore, #tpu.memory_space<semaphore_mem>>) src(%dma_wait3A_428 : memref<128x32xf32, #tpu.memory_space<vmem>>) dst(%dma_wait3A_424 : memref<128x32xf32, #tpu.memory_space<hbm>>)
    %dma_wait3A_429 = arith.constant 5 : i32
    %dma_wait3A_430 = arith.constant 0 : i32
    %dma_wait3A_431 = arith.constant 0 : i32
    %dma_wait3A_432 = arith.constant 0 : i32
    %dma_wait3A_433 = tpu.memref_slice %arg6[%dma_wait3A_429, %dma_wait3A_431, %dma_wait3A_432] : memref<8x128x32xf32, #tpu.memory_space<vmem>> -> memref<1x128x32xf32, #tpu.memory_space<vmem>>
    %dma_wait3A_434 = tpu.memref_squeeze %dma_wait3A_433 : memref<1x128x32xf32, #tpu.memory_space<vmem>> -> memref<128x32xf32, #tpu.memory_space<vmem>>
    %dma_wait3A_435 = arith.constant 0 : i32
    %dma_wait3A_436 = arith.constant 0 : i32
    %dma_wait3A_437 = tpu.memref_slice %arg4[%add3A, %dma_wait3A_430, %dma_wait3A_435, %dma_wait3A_436] : memref<32x200x128x32xf32, #tpu.memory_space<hbm>> -> memref<1x1x128x32xf32, #tpu.memory_space<hbm>>
    %dma_wait3A_438 = tpu.memref_squeeze %dma_wait3A_437 : memref<1x1x128x32xf32, #tpu.memory_space<hbm>> -> memref<128x32xf32, #tpu.memory_space<hbm>>
    %dma_wait3A_439 = arith.constant 0 : i32
    %dma_wait3A_440 = arith.constant 0 : i32
    %dma_wait3A_441 = tpu.memref_slice %arg4[%add3A, %dma_wait3A_430, %dma_wait3A_439, %dma_wait3A_440] : memref<32x200x128x32xf32, #tpu.memory_space<hbm>> -> memref<1x1x128x32xf32, #tpu.memory_space<hbm>>
    %dma_wait3A_442 = tpu.memref_squeeze %dma_wait3A_441 : memref<1x1x128x32xf32, #tpu.memory_space<hbm>> -> memref<128x32xf32, #tpu.memory_space<hbm>>
    %dma_wait3A_443 = arith.constant 0 : i32
    %dma_wait3A_444 = arith.constant 0 : i32
    %dma_wait3A_445 = tpu.memref_slice %arg6[%dma_wait3A_429, %dma_wait3A_443, %dma_wait3A_444] : memref<8x128x32xf32, #tpu.memory_space<vmem>> -> memref<1x128x32xf32, #tpu.memory_space<vmem>>
    %dma_wait3A_446 = tpu.memref_squeeze %dma_wait3A_445 : memref<1x128x32xf32, #tpu.memory_space<vmem>> -> memref<128x32xf32, #tpu.memory_space<vmem>>
    tpu.wait_dma2 semaphore(%arg20 : memref<!tpu.dma_semaphore, #tpu.memory_space<semaphore_mem>>) src(%dma_wait3A_446 : memref<128x32xf32, #tpu.memory_space<vmem>>) dst(%dma_wait3A_442 : memref<128x32xf32, #tpu.memory_space<hbm>>)
    %dma_wait3A_447 = arith.constant 6 : i32
    %dma_wait3A_448 = arith.constant 0 : i32
    %dma_wait3A_449 = arith.constant 0 : i32
    %dma_wait3A_450 = arith.constant 0 : i32
    %dma_wait3A_451 = tpu.memref_slice %arg6[%dma_wait3A_447, %dma_wait3A_449, %dma_wait3A_450] : memref<8x128x32xf32, #tpu.memory_space<vmem>> -> memref<1x128x32xf32, #tpu.memory_space<vmem>>
    %dma_wait3A_452 = tpu.memref_squeeze %dma_wait3A_451 : memref<1x128x32xf32, #tpu.memory_space<vmem>> -> memref<128x32xf32, #tpu.memory_space<vmem>>
    %dma_wait3A_453 = arith.constant 0 : i32
    %dma_wait3A_454 = arith.constant 0 : i32
    %dma_wait3A_455 = tpu.memref_slice %arg4[%add3A, %dma_wait3A_448, %dma_wait3A_453, %dma_wait3A_454] : memref<32x200x128x32xf32, #tpu.memory_space<hbm>> -> memref<1x1x128x32xf32, #tpu.memory_space<hbm>>
    %dma_wait3A_456 = tpu.memref_squeeze %dma_wait3A_455 : memref<1x1x128x32xf32, #tpu.memory_space<hbm>> -> memref<128x32xf32, #tpu.memory_space<hbm>>
    %dma_wait3A_457 = arith.constant 0 : i32
    %dma_wait3A_458 = arith.constant 0 : i32
    %dma_wait3A_459 = tpu.memref_slice %arg4[%add3A, %dma_wait3A_448, %dma_wait3A_457, %dma_wait3A_458] : memref<32x200x128x32xf32, #tpu.memory_space<hbm>> -> memref<1x1x128x32xf32, #tpu.memory_space<hbm>>
    %dma_wait3A_460 = tpu.memref_squeeze %dma_wait3A_459 : memref<1x1x128x32xf32, #tpu.memory_space<hbm>> -> memref<128x32xf32, #tpu.memory_space<hbm>>
    %dma_wait3A_461 = arith.constant 0 : i32
    %dma_wait3A_462 = arith.constant 0 : i32
    %dma_wait3A_463 = tpu.memref_slice %arg6[%dma_wait3A_447, %dma_wait3A_461, %dma_wait3A_462] : memref<8x128x32xf32, #tpu.memory_space<vmem>> -> memref<1x128x32xf32, #tpu.memory_space<vmem>>
    %dma_wait3A_464 = tpu.memref_squeeze %dma_wait3A_463 : memref<1x128x32xf32, #tpu.memory_space<vmem>> -> memref<128x32xf32, #tpu.memory_space<vmem>>
    tpu.wait_dma2 semaphore(%arg21 : memref<!tpu.dma_semaphore, #tpu.memory_space<semaphore_mem>>) src(%dma_wait3A_464 : memref<128x32xf32, #tpu.memory_space<vmem>>) dst(%dma_wait3A_460 : memref<128x32xf32, #tpu.memory_space<hbm>>)
    %dma_wait3A_465 = arith.constant 7 : i32
    %dma_wait3A_466 = arith.constant 0 : i32
    %dma_wait3A_467 = arith.constant 0 : i32
    %dma_wait3A_468 = arith.constant 0 : i32
    %dma_wait3A_469 = tpu.memref_slice %arg6[%dma_wait3A_465, %dma_wait3A_467, %dma_wait3A_468] : memref<8x128x32xf32, #tpu.memory_space<vmem>> -> memref<1x128x32xf32, #tpu.memory_space<vmem>>
    %dma_wait3A_470 = tpu.memref_squeeze %dma_wait3A_469 : memref<1x128x32xf32, #tpu.memory_space<vmem>> -> memref<128x32xf32, #tpu.memory_space<vmem>>
    %dma_wait3A_471 = arith.constant 0 : i32
    %dma_wait3A_472 = arith.constant 0 : i32
    %dma_wait3A_473 = tpu.memref_slice %arg4[%add3A, %dma_wait3A_466, %dma_wait3A_471, %dma_wait3A_472] : memref<32x200x128x32xf32, #tpu.memory_space<hbm>> -> memref<1x1x128x32xf32, #tpu.memory_space<hbm>>
    %dma_wait3A_474 = tpu.memref_squeeze %dma_wait3A_473 : memref<1x1x128x32xf32, #tpu.memory_space<hbm>> -> memref<128x32xf32, #tpu.memory_space<hbm>>
    %dma_wait3A_475 = arith.constant 0 : i32
    %dma_wait3A_476 = arith.constant 0 : i32
    %dma_wait3A_477 = tpu.memref_slice %arg4[%add3A, %dma_wait3A_466, %dma_wait3A_475, %dma_wait3A_476] : memref<32x200x128x32xf32, #tpu.memory_space<hbm>> -> memref<1x1x128x32xf32, #tpu.memory_space<hbm>>
    %dma_wait3A_478 = tpu.memref_squeeze %dma_wait3A_477 : memref<1x1x128x32xf32, #tpu.memory_space<hbm>> -> memref<128x32xf32, #tpu.memory_space<hbm>>
    %dma_wait3A_479 = arith.constant 0 : i32
    %dma_wait3A_480 = arith.constant 0 : i32
    %dma_wait3A_481 = tpu.memref_slice %arg6[%dma_wait3A_465, %dma_wait3A_479, %dma_wait3A_480] : memref<8x128x32xf32, #tpu.memory_space<vmem>> -> memref<1x128x32xf32, #tpu.memory_space<vmem>>
    %dma_wait3A_482 = tpu.memref_squeeze %dma_wait3A_481 : memref<1x128x32xf32, #tpu.memory_space<vmem>> -> memref<128x32xf32, #tpu.memory_space<vmem>>
    tpu.wait_dma2 semaphore(%arg22 : memref<!tpu.dma_semaphore, #tpu.memory_space<semaphore_mem>>) src(%dma_wait3A_482 : memref<128x32xf32, #tpu.memory_space<vmem>>) dst(%dma_wait3A_478 : memref<128x32xf32, #tpu.memory_space<hbm>>)
    return
  }
}

</mosaic_0001>

<sc_bundles>
// kernel: kernel.3.cloned.1.call-start
scs
__scs_entry_jumppad:
0x0: {  	(pc) =	sbr.rel $0x88, $3  }
0x1: {  	(tag) =	ssettag $0x0;
	lr =	simm.s32 $0x1  }
0x2: {  	[smem:$0x3F9F] =	sst lr;
	_ =	strace $0xD0000000  }
0x3: {  	_ = 	snop  }
0x4: {  	_ = 	snop  }
0x5: {  	_ = 	snop  }
0x6: {  	_ = 	snop  }
0x7: {  	_ = 	snop  }
__scs_overlays_trampoline_lowered:
0x8: {  	[smem:$0x3FAE] =	sst s0  }
0x9: {  	[smem:$0x3FAF] =	sst s1  }
0xa: {  	[smem:$0x3FB0] =	sst s2  }
0xb: {  	[smem:$0x3FB1] =	sst s3  }
0xc: {  	[smem:$0x3FB2] =	sst s4  }
0xd: {  	[smem:$0x3FB3] =	sst s5  }
0xe: {  	[smem:$0x3FB4] =	sst s6  }
0xf: {  	[smem:$0x3FB5] =	sst s7  }
0x10: {  	[smem:$0x3FB6] =	sst s8  }
0x11: {  	[smem:$0x3FB7] =	sst s9;
	s0 =	simm.s32 @!p0 $0x0  }
0x12: {  	s1 =	sld [smem:$0x3F9D];
	s0 =	simm.s32 @p0 $0x1  }
0x13: {  	[smem:$0x3FB8] =	sst s0;
	s0 =	simm.s32 @!p1 $0x0  }
0x14: {  	s2 =	sld [smem:$0x3F9C];
	s0 =	simm.s32 @p1 $0x1  }
0x15: {  	[smem:$0x3FB9] =	sst s0;
	s0 =	simm.s32 @!p2 $0x0  }
0x16: {  	s3 =	sld [smem:$0x3FDB];
	s0 =	simm.s32 @p2 $0x1  }
0x17: {  	s4 =	simm.s32 $0x1BF5;
	[smem:$0x3FBB] =	sst s0  }
0x18: {  	s0 =	sld [smem:$0x3F9E];
	_ =	swait.ge [sflag:s4], $0x0  }
0x19: {  	s7 =	sld [smem:$0x3F9F]  }
0x1a: {  	s8 =	sadd.s32 $0xFFFFE003, lr  }
0x1b: {  	s9 =	sadd.s32 $0xFFFFFEF7, lr;
	s5 =	simm.s32 $0xFFFFFFFF;
	p2 =	slt.u32 s8, $0xFFFFF086  }
0x1c: {  	p1 =	slt.u32 s9, $0xF7A;
	s5 =	simm.s32 @!p2 $0x0  }
0x1d: {  	s5 =	simm.s32 @p1 $0x1;
	p0 =	seq.s32 s7, s2  }
0x1e: {  	s7 =	smul.u32 @!p0 $0xF7A, s2;
	p2 =	seq.s32 @!p0 s5, $0x0  }
0x1f: {  	s9 =	smul.u32 $0xF7A, s1;
	s8 =	simm.s32 @!p0 $0x1BF5;
	p2 =	por !p2, p0  }
0x20: {  	[sflag:s8] =	ssyncset.s32 @!p0 $0xFFFFF086;
	s6 =	sadd.s32 @!p0 s3, s7;
	s7 =	simm.s32 @!p0 $0x108  }
0x21: {  	s3 =	sadd.s32 s3, s9;
	s6 =	sadd.s32 @!p0 $0x88, s6;
	s7 =	simm.s32 @p2 $0x1082  }
0x22: {  	[simem:s7], [sflag:s8] =	dma.local @!p0 [hbm:s6], $0xF7A  }
0x23: {  	s9 =	sor.u32 $0xD0000000, s2;
	s6 =	simm.s32 $0x108;
	_ =	swait.ge @!p0 [sflag:s8], $0x0  }
0x24: {  	s3 =	sadd.s32 $0x88, s3;
	s6 =	simm.s32 @!p1 $0x1082;
	[sflag:s4] =	ssyncset.s32 $0xFFFFF086  }
0x25: {  	[simem:s6], [sflag:s4] =	dma.local [hbm:s3], $0xF7A  }
0x26: {  	[smem:$0x3F9F] =	sst s1;
	(tag) =	ssettag s2;
	_ =	strace s9  }
0x27: {  	s1 =	sld [smem:$0x3FAF]  }
0x28: {  	s2 =	sld [smem:$0x3FB0]  }
0x29: {  	s4 =	sld [smem:$0x3FB2]  }
0x2a: {  	p0 =	seq.s32 s5, $0x0;
	s5 =	sld [smem:$0x3FB3]  }
0x2b: {  	s6 =	sld [smem:$0x3FB4]  }
0x2c: {  	s7 =	sld [smem:$0x3FB5]  }
0x2d: {  	s3 =	simm.s32 $0x108;
	s8 =	sld [smem:$0x3FB6]  }
0x2e: {  	s3 =	simm.s32 @!p0 $0x1082;
	s9 =	sld [smem:$0x3FB7]  }
0x2f: {  	lr =	sadd.s32 s0, s3;
	s0 =	sld [smem:$0x3FAE]  }
0x30: {  	s3 =	sld [smem:$0x3FB1]  }
0x31: {  	[smem:$0x3FBA] =	sst s10  }
0x32: {  	s10 =	sld [smem:$0x3FB8];
	_ =	sdelay $0x3  }
0x33: {  	p0 =	seq.s32 s10, $0x1;
	s10 =	sld [smem:$0x3FBA];
	_ =	sdelay $0x3  }
0x34: {  	[smem:$0x3FBA] =	sst s10  }
0x35: {  	s10 =	sld [smem:$0x3FB9];
	_ =	sdelay $0x3  }
0x36: {  	p1 =	seq.s32 s10, $0x1;
	s10 =	sld [smem:$0x3FBA];
	_ =	sdelay $0x3  }
0x37: {  	[smem:$0x3FBA] =	sst s10  }
0x38: {  	s10 =	sld [smem:$0x3FBB]  }
0x39: {  	_ = 	snop;
	(pc) =	sbr.ind lr, $3  }
0x3a: {  	_ = 	snop  }
0x3b: {  	_ = 	snop  }
0x3c: {  	p2 =	seq.s32 s10, $0x1;
	s10 =	sld [smem:$0x3FBA]  }
0x3d: {  	_ =	shalt  }
0x3e: {  	_ =	shalt  }
0x3f: {  	_ =	shalt  }
0x40: {  	_ =	shalt  }
0x41: {  	_ =	shalt  }
0x42: {  	_ =	shalt  }
0x43: {  	_ =	shalt  }
0x44: {  	_ =	shalt  }
0x45: {  	_ =	shalt  }
0x46: {  	_ =	shalt  }
0x47: {  	_ =	shalt  }
0x48: {  	_ =	shalt  }
0x49: {  	_ =	shalt  }
0x4a: {  	_ =	shalt  }
0x4b: {  	_ =	shalt  }
0x4c: {  	_ =	shalt  }
0x4d: {  	_ =	shalt  }
0x4e: {  	_ =	shalt  }
0x4f: {  	_ =	shalt  }
0x50: {  	_ =	shalt  }
0x51: {  	_ =	shalt  }
0x52: {  	_ =	shalt  }
0x53: {  	_ =	shalt  }
0x54: {  	_ =	shalt  }
0x55: {  	_ =	shalt  }
0x56: {  	_ =	shalt  }
0x57: {  	_ =	shalt  }
0x58: {  	_ =	shalt  }
0x59: {  	_ =	shalt  }
0x5a: {  	_ =	shalt  }
0x5b: {  	_ =	shalt  }
0x5c: {  	_ =	shalt  }
0x5d: {  	_ =	shalt  }
0x5e: {  	_ =	shalt  }
0x5f: {  	_ =	shalt  }
0x60: {  	_ =	shalt  }
0x61: {  	_ =	shalt  }
0x62: {  	_ =	shalt  }
0x63: {  	_ =	shalt  }
0x64: {  	_ =	shalt  }
0x65: {  	_ =	shalt  }
0x66: {  	_ =	shalt  }
0x67: {  	_ =	shalt  }
0x68: {  	_ =	shalt  }
0x69: {  	_ =	shalt  }
0x6a: {  	_ =	shalt  }
0x6b: {  	_ =	shalt  }
0x6c: {  	_ =	shalt  }
0x6d: {  	_ =	shalt  }
0x6e: {  	_ =	shalt  }
0x6f: {  	_ =	shalt  }
0x70: {  	_ =	shalt  }
0x71: {  	_ =	shalt  }
0x72: {  	_ =	shalt  }
0x73: {  	_ =	shalt  }
0x74: {  	_ =	shalt  }
0x75: {  	_ =	shalt  }
0x76: {  	_ =	shalt  }
0x77: {  	_ =	shalt  }
0x78: {  	_ =	shalt  }
0x79: {  	_ =	shalt  }
0x7a: {  	_ =	shalt  }
0x7b: {  	_ =	shalt  }
0x7c: {  	_ =	shalt  }
0x7d: {  	_ =	shalt  }
0x7e: {  	_ =	shalt  }
0x7f: {  	_ =	shalt  }
0x80: {  	_ =	shalt  }
0x81: {  	_ =	shalt  }
0x82: {  	_ =	shalt  }
0x83: {  	_ =	shalt  }
0x84: {  	_ =	shalt  }
0x85: {  	_ =	shalt  }
0x86: {  	_ =	shalt  }
0x87: {  	_ =	shalt  }
.Lfunc_end0:
.L_simem_size_0:
called_computation.2_lowered:
.L_overlay_start_0:
0x88: {  	s2 =	sld [smem:$0x3FD9]  }
0x89: {  	s3 =	sld [smem:$0x3FFE];
	_ =	sdelay $0x1  }
0x8a: {  	s1 =	srdreg.scid  }
0x8b: {  	s0 =	sand.u32 $0x1, s1  }
0x8c: {  	s17 =	sshll.u32 s0, $0xA;
	s2 =	sadd.s32 s3, s2  }
0x8d: {  	s2 =	sadd.s32 s2, s17  }
0x8e: {  	[smem:$0x3FC6] =	sst s2  }
0x8f: {  	_ = 	snop  }
0x90: {  	s2 =	sld [smem:$0x3FD0];
	(tm) =	ssettm $0x1  }
0x91: {  	s18 =	sld [smem:$0x3FFB];
	_ =	sdelay $0x3  }
0x92: {  	_ =	strace s18  }
0x93: {  	s3 =	sld [smem:$0x3FFC];
	_ =	sdelay $0x3  }
0x94: {  	_ =	strace s3  }
0x95: {  	s3 =	sld [smem:$0x3FFD];
	_ =	sdelay $0x3  }
0x96: {  	_ =	strace s3  }
0x97: {  	_ =	strace $0x8FFFFFFF  }
0x98: {  	s19 =	sld [smem:$0x3FDB];
	_ =	sdelay $0x1  }
0x99: {  	s4 =	simm.s32 $_scs_section_size  }
0x9a: {  	s5 =	simm.s32 $_size__tile_overlayer_lowered;
	s6 =	simm.s32 $_tile_overlayer_lowered  }
0x9b: {  	s22 =	simm.s32 $0x1BFF;
	s21 =	sshll.u32 s6, $0x1;
	s3 =	sadd.s32 s4, s19  }
0x9c: {  	s7 =	simm.s32 $0x0;
	s20 =	sshll.u32 s5, $0x1;
	s5 =	sadd.s32 s21, s3  }
0x9d: {  	[timem:s7], [sflag:s22] =	dma.local [hbm:s5], s20  }
0x9e: {  	_ =	swait.ge [sflag:s22], s20  }
0x9f: {  	s4 =	ssub.s32 $0x0, s20;
	[sflag:s22] =	ssyncset.done $0x0  }
0xa0: {  	[sflag:s22] =	ssyncadd.s32 s4;
	_ =	sdelay $0x1  }
0xa1: {  	s23 =	simm.s32 $0x1B8B  }
0xa2: {  	_ =	swait.ge [sflag:s23], $0x1  }
0xa3: {  	[sflag:s23] =	ssyncset.done $0x0  }
0xa4: {  	s25 =	simm.s32 $0x1B8E;
	s24 =	sld [smem:$0x3FFE];
	[sflag:s23] =	ssyncadd.s32 $0xFFFFFFFF  }
0xa5: {  	s26 =	simm.s32 $execute0_lowered;
	[smem:$0x3FD2] =	sst s25  }
0xa6: {  	s5 =	sshll.u32 s26, $0x1;
	_ =	strace $0x80000046;
	[dreg:$0x1] =	wrdreg $0xFFFFFFFF  }
0xa7: {  	s28 =	simm.s32 $_size_execute0_lowered;
	s3 =	sadd.s32 s3, s5;
	[dreg:$0x0] =	wrdreg $0x0  }
0xa8: {  	s5 =	sshll.u32 s28, $0x1;
	[dreg:$0x2] =	wrdreg s3  }
0xa9: {  	[dreg:$0x3] =	wrdreg s5  }
0xaa: {  	[dreg:$0x4] =	wrdreg $0xC0  }
0xab: {  	_ =	task [dreg:s7], $0x5FFFF  }
0xac: {  	[dreg:$0x1] =	wrdreg $0xFFFFFFFF  }
0xad: {  	[dreg:$0x0] =	wrdreg $0x60  }
0xae: {  	[dreg:$0x2] =	wrdreg s24  }
0xaf: {  	[dreg:$0x3] =	wrdreg s2  }
0xb0: {  	[dreg:$0x4] =	wrdreg $0x9  }
0xb1: {  	_ =	task.clear_ibuf [dreg:s7], $0x5FFFF;
	_ =	strace $0x90000046  }
0xb2: {  	s29 =	simm.s32 $0x9;
	_ =	strace $0x80000048  }
0xb3: {  	_ =	swait.ge [sflag:s29], $0x1  }
0xb4: {  	[sflag:s29] =	ssyncadd.s32 $0xFFFFFFFF  }
0xb5: {  	_ =	strace $0x90000048  }
0xb6: {  	_ =	sfence  }
0xb7: {  	s30 =	sld [smem:$0x0];
	_ =	sdelay $0x2  }
0xb8: {  	s31 =	sshll.u32 s1, $0xD;
	s1 =	sshrl.u32 s1, $0x2  }
0xb9: {  	s3 =	sand.u32 $0x4000, s31;
	s1 =	sadd.s32 s1, s30  }
0xba: {  	s0 =	sor.u32 s3, s0;
	s1 =	sshll.u32 s1, $0x11  }
0xbb: {  	s0 =	sor.u32 s1, s0  }
0xbc: {  	s0 =	sadd.s32 $0x8F2B, s0  }
0xbd: {  	[sflag:s0] =	ssyncadd.remote.s32 $0x1  }
0xbe: {  	_ =	sfence.sel $0xFFFF  }
0xbf: {  	[dreg:$0x0] =	wrdreg $0xFFFFFFFF;
	(pc) =	sbr.abs _section_cstart, $3  }
0xc0: {  	[dreg:$0x1] =	wrdreg $0xFFFFFFFF  }
0xc1: {  	_ =	task.clear_ibuf [dreg:s7], $0x2FFFF;
	_ =	strace $0x9FFFFFFF  }
0xc2: {  	(tm) =	ssettm $0x7FFFFFFF  }
0xc3: {  	_ =	shalt  }
tec
execute0_lowered:
.L_overlay_start_1:
0x0: {  	(tag) =	ssettag $0x1  }
0x1: {  	s0 =	rddreg [dreg:$0x0];
	s1 =	srdreg.scid  }
0x2: {  	s7 =	stileid.u32;
	s19 =	rddreg [dreg:$0x1]  }
0x3: {  	s1 =	sand.u32 $0x1, s1;
	s2 =	sshll.u32 s7, $0x1;
	s7 =	smul.u32 $0x190000, s7  }
0x4: {  	s2 =	sor.u32 s1, s2;
	s6 =	ssub.s32 $0x2, s1;
	s1 =	smul.u32 $0xC8000, s1  }
0x5: {  	s3 =	simm.s32 $0x0;
	s29 =	simm.s32 $0x4;
	s4 =	smul.u32 $0xC80, s2  }
0x6: {  	s30 =	simm.s32 $0x9400;
	[smem:$0x7FF] =	sst s3;
	s2 =	smul.u32 $0xC8000, s2  }
0x7: {  	s31 =	simm.s32 $0x2;
	_ =	strace $0x80000047;
	s8 =	sshrl.u32 s6, $0x1  }
0x8: {  	s1 =	sadd.s32 s1, s7;
	s5 =	sadd.s32 s4, s0;
	s2 =	sshrl.u32 s2, $0x3  }
0x9: {  	s4 =	sadd.s32 $0xF43200, s0;
	s0 =	ssub.s32 s6, s8;
	s6 =	sor.u32 $0x7000, s1  }
0xa: {  	s11 =	sor.u32 $0x6000, s1;
	s13 =	sor.u32 $0x5000, s1;
	s14 =	sor.u32 $0x4000, s1  }
0xb: {  	s18 =	sadd.s32 $0x9000, s1;
	s21 =	sadd.s32 $0xA000, s1;
	s22 =	sadd.s32 $0xB000, s1  }
0xc: {  	s8 =	sadd.s32 s19, s2;
	s25 =	sadd.s32 $0xE00, s5;
	s2 =	sshrl.u32 s6, $0x3  }
0xd: {  	s12 =	sshrl.u32 s11, $0x3;
	s16 =	sshrl.u32 s14, $0x3;
	[dreg:$0xb] =	wrdreg s25  }
0xe: {  	s20 =	sshrl.u32 s18, $0x3;
	s0 =	smax.u32 s0, $0x1;
	[dreg:$0xa] =	wrdreg s8  }
0xf: {  	s24 =	sshrl.u32 s22, $0x3;
	s26 =	sadd.s32 $0x200, s8;
	[dreg:$0x13] =	wrdreg s0  }
0x10: {  	s18 =	simm.s32 $0x8400;
	s28 =	sadd.s32 $0x400, s8;
	[dreg:$0xc] =	wrdreg s26  }
0x11: {  	s22 =	simm.s32 $0x6;
	s5 =	sadd.s32 $0x600, s8;
	[dreg:$0xd] =	wrdreg s28  }
0x12: {  	s6 =	simm.s32 $0xA;
	s7 =	sadd.s32 $0x18800, s8;
	[dreg:$0xe] =	wrdreg s5  }
0x13: {  	s11 =	simm.s32 $0xD;
	s9 =	sadd.s32 $0x18A00, s8;
	[dreg:$0xf] =	wrdreg s7  }
0x14: {  	s14 =	simm.s32 $0x10;
	s10 =	sadd.s32 $0x18C00, s8;
	[dreg:$0x10] =	wrdreg s9  }
0x15: {  	s2 =	sadd.s32 s2, s19;
	s17 =	sadd.s32 s16, s19;
	[dreg:$0x11] =	wrdreg s10  }
0x16: {  	s25 =	sadd.s32 $0x18E00, s8;
	s16 =	simm.s32 $0x7400;
	[dreg:$0x3] =	wrdreg s2  }
0x17: {  	s8 =	simm.s32 $0xB;
	s0 =	simm.s32 $0x0;
	[dreg:$0x6] =	wrdreg s17  }
0x18: {  	s2 =	sadd.s32 s12, s19;
	s5 =	sshrl.u32 s13, $0x3;
	[dreg:$0x12] =	wrdreg s25  }
0x19: {  	s26 =	sadd.s32 s24, s19;
	s28 =	sadd.s32 $0x8000, s1;
	s17 =	simm.s32 $0x80  }
0x1a: {  	s24 =	simm.s32 $0x1;
	s25 =	simm.s32 $0x2;
	s1 =	simm.s32 $0x9  }
0x1b: {  	s7 =	simm.s32 $0x7;
	s9 =	simm.s32 $0x8;
	[dreg:$0x4] =	wrdreg s2  }
0x1c: {  	s10 =	simm.s32 $0xC;
	s12 =	simm.s32 $0xE;
	[dreg:$0x14] =	wrdreg s28  }
0x1d: {  	s13 =	simm.s32 $0xF;
	s15 =	sadd.s32 s5, s19;
	[dreg:$0x9] =	wrdreg s26  }
0x1e: {  	s2 =	sadd.s32 s20, s19;
	s5 =	sshrl.u32 s21, $0x3;
	[dreg:$0x5] =	wrdreg s15  }
0x1f: {  	s21 =	simm.s32 $0x9400;
	[dreg:$0x7] =	wrdreg s2;
	s23 =	sadd.s32 s5, s19  }
0x20: {  	s20 =	simm.s32 $0x3;
	s15 =	simm.s32 $0x6400;
	[dreg:$0x8] =	wrdreg s23  }
.LBB2_1:
0x21: {  	[dreg:$0x15] =	wrdreg s0  }
0x22: {  	s2 =	rddreg [dreg:$0xb];
	s23 =	simm.s32 $0x11  }
0x23: {  	[tilespmem:s3], [sflag:$0x11] =	stream.linear.gather [hbm4b:s2+s3], $0x6400, $0x38;
	[tilespmem:$0xE400] =	vst v63  }
0x24: {  	_ =	swait.ge [sflag:s23], $0x6400  }
0x25: {  	[sflag:s23] =	ssyncset.done $0x0  }
0x26: {  	[sflag:s23] =	ssyncadd.s32 $0xFFFF9C00  }
0x27: {  	[tilespmem:s15], [sflag:$0x1] =	stream.indirect.gather [hbm4b:s4+s17], $0x20, s3, s17, $0xb8;
	[tilespmem:$0xE400] =	vst v63  }
0x28: {  	_ = 	snop  }
0x29: {  	[tilespmem:s16], [sflag:$0x2] =	stream.indirect.gather [hbm4b:s4+s17], $0x20, s17, s17, $0xb8;
	[tilespmem:$0xE400] =	vst v63  }
0x2a: {  	s26 =	simm.s32 $0x100  }
0x2b: {  	[tilespmem:s18], [sflag:$0x3] =	stream.indirect.gather [hbm4b:s4+s17], $0x20, s26, s17, $0xb8;
	[tilespmem:$0xE400] =	vst v63  }
0x2c: {  	s0 =	simm.s32 $0x180  }
0x2d: {  	[tilespmem:s21], [sflag:$0x4] =	stream.indirect.gather [hbm4b:s4+s17], $0x20, s0, s17, $0xb8;
	[tilespmem:$0xE400] =	vst v63  }
0x2e: {  	_ =	swait.ge [sflag:s24], $0x1000  }
0x2f: {  	[sflag:s24] =	ssyncset.done $0x0  }
0x30: {  	s5 =	rddreg [dreg:$0xa];
	[sflag:s24] =	ssyncadd.s32 $0xFFFFF000  }
0x31: {  	[hbm4b:s5+s3] =	stream.linear.scatter [tilespmem:s15], [sflag:$0x9], $0x1000, $0x38;
	[tilespmem:$0xE400] =	vst v63  }
0x32: {  	s23 =	simm.s32 $0x200;
	s0 =	simm.s32 $0xA400  }
0x33: {  	[tilespmem:s0], [sflag:$0x5] =	stream.indirect.gather [hbm4b:s4+s17], $0x20, s23, s17, $0xb8;
	[tilespmem:$0xE400] =	vst v63  }
0x34: {  	_ =	swait.ge [sflag:s25], $0x1000  }
0x35: {  	[sflag:s25] =	ssyncset.done $0x0  }
0x36: {  	s26 =	rddreg [dreg:$0xc];
	[sflag:s25] =	ssyncadd.s32 $0xFFFFF000  }
0x37: {  	[hbm4b:s26+s3] =	stream.linear.scatter [tilespmem:s16], [sflag:$0xA], $0x1000, $0x38;
	[tilespmem:$0xE400] =	vst v63  }
0x38: {  	s5 =	simm.s32 $0x280;
	s23 =	simm.s32 $0xB400  }
0x39: {  	[tilespmem:s23], [sflag:$0x6] =	stream.indirect.gather [hbm4b:s4+s17], $0x20, s5, s17, $0xb8;
	[tilespmem:$0xE400] =	vst v63  }
0x3a: {  	_ =	swait.ge [sflag:s20], $0x1000  }
0x3b: {  	[sflag:s20] =	ssyncset.done $0x0  }
0x3c: {  	s26 =	rddreg [dreg:$0xd];
	[sflag:s20] =	ssyncadd.s32 $0xFFFFF000  }
0x3d: {  	[hbm4b:s26+s3] =	stream.linear.scatter [tilespmem:s18], [sflag:$0xB], $0x1000, $0x38;
	[tilespmem:$0xE400] =	vst v63  }
0x3e: {  	s5 =	simm.s32 $0x300;
	s26 =	simm.s32 $0xC400  }
0x3f: {  	[tilespmem:s26], [sflag:$0x7] =	stream.indirect.gather [hbm4b:s4+s17], $0x20, s5, s17, $0xb8;
	[tilespmem:$0xE400] =	vst v63  }
0x40: {  	_ =	swait.ge [sflag:s29], $0x1000  }
0x41: {  	[sflag:s29] =	ssyncset.done $0x0  }
0x42: {  	s5 =	rddreg [dreg:$0xe];
	[sflag:s29] =	ssyncadd.s32 $0xFFFFF000  }
0x43: {  	[hbm4b:s5+s3] =	stream.linear.scatter [tilespmem:s21], [sflag:$0xC], $0x1000, $0x38;
	[tilespmem:$0xE400] =	vst v63  }
0x44: {  	s28 =	simm.s32 $0x5;
	s2 =	simm.s32 $0x380;
	s5 =	simm.s32 $0xD400  }
0x45: {  	[tilespmem:s5], [sflag:$0x8] =	stream.indirect.gather [hbm4b:s4+s17], $0x20, s2, s17, $0xb8;
	[tilespmem:$0xE400] =	vst v63  }
0x46: {  	_ =	swait.ge [sflag:s28], $0x1000  }
0x47: {  	s2 =	rddreg [dreg:$0x6];
	[sflag:s28] =	ssyncset.done $0x0  }
0x48: {  	[sflag:s28] =	ssyncadd.s32 $0xFFFFF000;
	s2 =	sadd.s32 $0x0, s2  }
0x49: {  	[hbm4b:s2+s3] =	stream.linear.scatter [tilespmem:s0], [sflag:$0xD], $0x1000, $0x38;
	[tilespmem:$0xE400] =	vst v63  }
0x4a: {  	_ =	swait.ge [sflag:s1], $0x1000  }
0x4b: {  	[sflag:s1] =	ssyncset.done $0x0  }
0x4c: {  	s2 =	simm.s32 $0x400;
	[sflag:s1] =	ssyncadd.s32 $0xFFFFF000  }
0x4d: {  	[tilespmem:s15], [sflag:$0x1] =	stream.indirect.gather [hbm4b:s4+s17], $0x20, s2, s17, $0xb8;
	[tilespmem:$0xE400] =	vst v63  }
0x4e: {  	_ =	swait.ge [sflag:s22], $0x1000  }
0x4f: {  	s2 =	rddreg [dreg:$0x5];
	[sflag:s22] =	ssyncset.done $0x0  }
0x50: {  	[sflag:s22] =	ssyncadd.s32 $0xFFFFF000;
	s2 =	sadd.s32 $0x0, s2  }
0x51: {  	[hbm4b:s2+s3] =	stream.linear.scatter [tilespmem:s23], [sflag:$0xE], $0x1000, $0x38;
	[tilespmem:$0xE400] =	vst v63  }
0x52: {  	_ =	swait.ge [sflag:s6], $0x1000  }
0x53: {  	[sflag:s6] =	ssyncset.done $0x0  }
0x54: {  	s2 =	simm.s32 $0x480;
	[sflag:s6] =	ssyncadd.s32 $0xFFFFF000  }
0x55: {  	[tilespmem:s16], [sflag:$0x2] =	stream.indirect.gather [hbm4b:s4+s17], $0x20, s2, s17, $0xb8;
	[tilespmem:$0xE400] =	vst v63  }
0x56: {  	_ =	swait.ge [sflag:s7], $0x1000  }
0x57: {  	s2 =	rddreg [dreg:$0x4];
	[sflag:s7] =	ssyncset.done $0x0  }
0x58: {  	[sflag:s7] =	ssyncadd.s32 $0xFFFFF000;
	s2 =	sadd.s32 $0x0, s2  }
0x59: {  	[hbm4b:s2+s3] =	stream.linear.scatter [tilespmem:s26], [sflag:$0xF], $0x1000, $0x38;
	[tilespmem:$0xE400] =	vst v63  }
0x5a: {  	_ =	swait.ge [sflag:s8], $0x1000  }
0x5b: {  	[sflag:s8] =	ssyncset.done $0x0  }
0x5c: {  	s2 =	simm.s32 $0x500;
	[sflag:s8] =	ssyncadd.s32 $0xFFFFF000  }
0x5d: {  	[tilespmem:s18], [sflag:$0x3] =	stream.indirect.gather [hbm4b:s4+s17], $0x20, s2, s17, $0xb8;
	[tilespmem:$0xE400] =	vst v63  }
0x5e: {  	_ =	swait.ge [sflag:s9], $0x1000  }
0x5f: {  	s2 =	rddreg [dreg:$0x3];
	[sflag:s9] =	ssyncset.done $0x0  }
0x60: {  	[sflag:s9] =	ssyncadd.s32 $0xFFFFF000;
	s2 =	sadd.s32 $0x0, s2  }
0x61: {  	[hbm4b:s2+s3] =	stream.linear.scatter [tilespmem:s5], [sflag:$0x10], $0x1000, $0x38;
	[tilespmem:$0xE400] =	vst v63  }
0x62: {  	_ =	swait.ge [sflag:s10], $0x1000  }
0x63: {  	[sflag:s10] =	ssyncset.done $0x0  }
0x64: {  	s5 =	simm.s32 $0x580;
	[sflag:s10] =	ssyncadd.s32 $0xFFFFF000  }
0x65: {  	[tilespmem:s21], [sflag:$0x4] =	stream.indirect.gather [hbm4b:s4+s17], $0x20, s5, s17, $0xb8;
	[tilespmem:$0xE400] =	vst v63  }
0x66: {  	_ =	swait.ge [sflag:s24], $0x1000  }
0x67: {  	s5 =	rddreg [dreg:$0x14]  }
0x68: {  	[sflag:s24] =	ssyncset.done $0x0;
	s2 =	sshrl.u32 s5, $0x3  }
0x69: {  	[sflag:s24] =	ssyncadd.s32 $0xFFFFF000;
	s2 =	sadd.s32 s19, s2  }
0x6a: {  	[hbm4b:s2+s3] =	stream.linear.scatter [tilespmem:s15], [sflag:$0x9], $0x1000, $0x38;
	[tilespmem:$0xE400] =	vst v63  }
0x6b: {  	_ =	swait.ge [sflag:s11], $0x1000  }
0x6c: {  	[sflag:s11] =	ssyncset.done $0x0  }
0x6d: {  	s24 =	simm.s32 $0x600;
	[sflag:s11] =	ssyncadd.s32 $0xFFFFF000  }
0x6e: {  	[tilespmem:s0], [sflag:$0x5] =	stream.indirect.gather [hbm4b:s4+s17], $0x20, s24, s17, $0xb8;
	[tilespmem:$0xE400] =	vst v63  }
0x6f: {  	_ =	swait.ge [sflag:s25], $0x1000  }
0x70: {  	s15 =	rddreg [dreg:$0x7];
	[sflag:s25] =	ssyncset.done $0x0  }
0x71: {  	[sflag:s25] =	ssyncadd.s32 $0xFFFFF000;
	s2 =	sadd.s32 $0x0, s15  }
0x72: {  	[hbm4b:s2+s3] =	stream.linear.scatter [tilespmem:s16], [sflag:$0xA], $0x1000, $0x38;
	[tilespmem:$0xE400] =	vst v63  }
0x73: {  	_ =	swait.ge [sflag:s12], $0x1000  }
0x74: {  	[sflag:s12] =	ssyncset.done $0x0  }
0x75: {  	s16 =	simm.s32 $0x680;
	[sflag:s12] =	ssyncadd.s32 $0xFFFFF000  }
0x76: {  	[tilespmem:s23], [sflag:$0x6] =	stream.indirect.gather [hbm4b:s4+s17], $0x20, s16, s17, $0xb8;
	[tilespmem:$0xE400] =	vst v63  }
0x77: {  	_ =	swait.ge [sflag:s20], $0x1000  }
0x78: {  	s24 =	rddreg [dreg:$0x8];
	[sflag:s20] =	ssyncset.done $0x0  }
0x79: {  	[sflag:s20] =	ssyncadd.s32 $0xFFFFF000;
	s2 =	sadd.s32 $0x0, s24  }
0x7a: {  	[hbm4b:s2+s3] =	stream.linear.scatter [tilespmem:s18], [sflag:$0xB], $0x1000, $0x38;
	[tilespmem:$0xE400] =	vst v63  }
0x7b: {  	_ =	swait.ge [sflag:s13], $0x1000  }
0x7c: {  	[sflag:s13] =	ssyncset.done $0x0  }
0x7d: {  	s25 =	simm.s32 $0x700;
	[sflag:s13] =	ssyncadd.s32 $0xFFFFF000  }
0x7e: {  	[tilespmem:s26], [sflag:$0x7] =	stream.indirect.gather [hbm4b:s4+s17], $0x20, s25, s17, $0xb8;
	[tilespmem:$0xE400] =	vst v63  }
0x7f: {  	_ =	swait.ge [sflag:s29], $0x1000  }
0x80: {  	s28 =	simm.s32 $0x1;
	s26 =	rddreg [dreg:$0x9];
	[sflag:s29] =	ssyncset.done $0x0  }
0x81: {  	s15 =	sadd.s32 $0x8000, s5;
	[sflag:s29] =	ssyncadd.s32 $0xFFFFF000;
	s2 =	sadd.s32 $0x0, s26  }
0x82: {  	[hbm4b:s2+s3] =	stream.linear.scatter [tilespmem:s21], [sflag:$0xC], $0x1000, $0x38;
	[tilespmem:$0xE400] =	vst v63  }
0x83: {  	s23 =	simm.s32 $0x7400;
	s16 =	simm.s32 $0x1000;
	_ =	swait.ge [sflag:s14], $0x1000  }
0x84: {  	s20 =	simm.s32 $0x3;
	s26 =	simm.s32 $0x8400;
	[sflag:s14] =	ssyncset.done $0x0  }
0x85: {  	s2 =	simm.s32 $0x780;
	s21 =	simm.s32 $0x6400;
	[sflag:s14] =	ssyncadd.s32 $0xFFFFF000  }
.LBB2_2:
0x86: {  	s25 =	simm.s32 $0xD400;
	s0 =	simm.s32 $0x5  }
0x87: {  	[tilespmem:s25], [sflag:$0x8] =	stream.indirect.gather [hbm4b:s4+s17], $0x20, s2, s17, $0xb8;
	[tilespmem:$0xE400] =	vst v63  }
0x88: {  	_ =	swait.ge [sflag:s0], $0x1000  }
0x89: {  	s5 =	smov.u32 s16;
	s18 =	rddreg [dreg:$0x6];
	[sflag:s0] =	ssyncset.done $0x0  }
0x8a: {  	[sflag:s0] =	ssyncadd.s32 $0xFFFFF000;
	s2 =	sadd.s32 s5, s18;
	s0 =	simm.s32 $0xA400  }
0x8b: {  	[hbm4b:s2+s3] =	stream.linear.scatter [tilespmem:s0], [sflag:$0xD], $0x1000, $0x38;
	[tilespmem:$0xE400] =	vst v63  }
0x8c: {  	_ =	swait.ge [sflag:s1], $0x1000  }
0x8d: {  	s2 =	sshra.s32 s5, $0x2;
	[sflag:s1] =	ssyncset.done $0x0  }
0x8e: {  	s18 =	sadd.s32 $0x400, s2;
	[sflag:s1] =	ssyncadd.s32 $0xFFFFF000  }
0x8f: {  	[tilespmem:s21], [sflag:$0x1] =	stream.indirect.gather [hbm4b:s4+s17], $0x20, s18, s17, $0xb8;
	[tilespmem:$0xE400] =	vst v63  }
0x90: {  	_ =	swait.ge [sflag:s22], $0x1000  }
0x91: {  	s24 =	rddreg [dreg:$0x5];
	[sflag:s22] =	ssyncset.done $0x0  }
0x92: {  	[sflag:s22] =	ssyncadd.s32 $0xFFFFF000;
	s18 =	sadd.s32 s5, s24;
	s24 =	simm.s32 $0xB400  }
0x93: {  	[hbm4b:s18+s3] =	stream.linear.scatter [tilespmem:s24], [sflag:$0xE], $0x1000, $0x38;
	[tilespmem:$0xE400] =	vst v63  }
0x94: {  	_ =	swait.ge [sflag:s6], $0x1000  }
0x95: {  	[sflag:s6] =	ssyncset.done $0x0  }
0x96: {  	s18 =	sadd.s32 $0x480, s2;
	[sflag:s6] =	ssyncadd.s32 $0xFFFFF000  }
0x97: {  	[tilespmem:s23], [sflag:$0x2] =	stream.indirect.gather [hbm4b:s4+s17], $0x20, s18, s17, $0xb8;
	[tilespmem:$0xE400] =	vst v63  }
0x98: {  	_ =	swait.ge [sflag:s7], $0x1000  }
0x99: {  	s18 =	rddreg [dreg:$0x4];
	[sflag:s7] =	ssyncset.done $0x0  }
0x9a: {  	s29 =	simm.s32 $0xC400;
	[sflag:s7] =	ssyncadd.s32 $0xFFFFF000;
	s18 =	sadd.s32 s5, s18  }
0x9b: {  	[hbm4b:s18+s3] =	stream.linear.scatter [tilespmem:s29], [sflag:$0xF], $0x1000, $0x38;
	[tilespmem:$0xE400] =	vst v63  }
0x9c: {  	_ =	swait.ge [sflag:s8], $0x1000  }
0x9d: {  	[sflag:s8] =	ssyncset.done $0x0  }
0x9e: {  	s18 =	sadd.s32 $0x500, s2;
	[sflag:s8] =	ssyncadd.s32 $0xFFFFF000  }
0x9f: {  	[tilespmem:s26], [sflag:$0x3] =	stream.indirect.gather [hbm4b:s4+s17], $0x20, s18, s17, $0xb8;
	[tilespmem:$0xE400] =	vst v63  }
0xa0: {  	_ =	swait.ge [sflag:s9], $0x1000  }
0xa1: {  	s18 =	rddreg [dreg:$0x3];
	[sflag:s9] =	ssyncset.done $0x0  }
0xa2: {  	[sflag:s9] =	ssyncadd.s32 $0xFFFFF000;
	s18 =	sadd.s32 s5, s18  }
0xa3: {  	[hbm4b:s18+s3] =	stream.linear.scatter [tilespmem:s25], [sflag:$0x10], $0x1000, $0x38;
	[tilespmem:$0xE400] =	vst v63  }
0xa4: {  	_ =	swait.ge [sflag:s10], $0x1000  }
0xa5: {  	[sflag:s10] =	ssyncset.done $0x0  }
0xa6: {  	s25 =	sadd.s32 $0x580, s2;
	[sflag:s10] =	ssyncadd.s32 $0xFFFFF000  }
0xa7: {  	[tilespmem:s30], [sflag:$0x4] =	stream.indirect.gather [hbm4b:s4+s17], $0x20, s25, s17, $0xb8;
	[tilespmem:$0xE400] =	vst v63  }
0xa8: {  	_ =	swait.ge [sflag:s28], $0x1000  }
0xa9: {  	s25 =	sshrl.u32 s15, $0x3;
	[sflag:s28] =	ssyncset.done $0x0  }
0xaa: {  	s18 =	sadd.s32 s19, s25;
	[sflag:s28] =	ssyncadd.s32 $0xFFFFF000  }
0xab: {  	[hbm4b:s18+s3] =	stream.linear.scatter [tilespmem:s21], [sflag:$0x9], $0x1000, $0x38;
	[tilespmem:$0xE400] =	vst v63  }
0xac: {  	_ =	swait.ge [sflag:s11], $0x1000  }
0xad: {  	[sflag:s11] =	ssyncset.done $0x0  }
0xae: {  	s18 =	sadd.s32 $0x600, s2;
	[sflag:s11] =	ssyncadd.s32 $0xFFFFF000  }
0xaf: {  	[tilespmem:s0], [sflag:$0x5] =	stream.indirect.gather [hbm4b:s4+s17], $0x20, s18, s17, $0xb8;
	[tilespmem:$0xE400] =	vst v63  }
0xb0: {  	_ =	swait.ge [sflag:s31], $0x1000  }
0xb1: {  	s0 =	rddreg [dreg:$0x7];
	[sflag:s31] =	ssyncset.done $0x0  }
0xb2: {  	[sflag:s31] =	ssyncadd.s32 $0xFFFFF000;
	s18 =	sadd.s32 s5, s0  }
0xb3: {  	[hbm4b:s18+s3] =	stream.linear.scatter [tilespmem:s23], [sflag:$0xA], $0x1000, $0x38;
	[tilespmem:$0xE400] =	vst v63  }
0xb4: {  	_ =	swait.ge [sflag:s12], $0x1000  }
0xb5: {  	[sflag:s12] =	ssyncset.done $0x0  }
0xb6: {  	s18 =	sadd.s32 $0x680, s2;
	[sflag:s12] =	ssyncadd.s32 $0xFFFFF000  }
0xb7: {  	[tilespmem:s24], [sflag:$0x6] =	stream.indirect.gather [hbm4b:s4+s17], $0x20, s18, s17, $0xb8;
	[tilespmem:$0xE400] =	vst v63  }
0xb8: {  	_ =	swait.ge [sflag:s20], $0x1000  }
0xb9: {  	s24 =	rddreg [dreg:$0x8];
	[sflag:s20] =	ssyncset.done $0x0  }
0xba: {  	[sflag:s20] =	ssyncadd.s32 $0xFFFFF000;
	s18 =	sadd.s32 s5, s24  }
0xbb: {  	[hbm4b:s18+s3] =	stream.linear.scatter [tilespmem:s26], [sflag:$0xB], $0x1000, $0x38;
	[tilespmem:$0xE400] =	vst v63  }
0xbc: {  	_ =	swait.ge [sflag:s13], $0x1000  }
0xbd: {  	[sflag:s13] =	ssyncset.done $0x0  }
0xbe: {  	s18 =	sadd.s32 $0x700, s2;
	[sflag:s13] =	ssyncadd.s32 $0xFFFFF000  }
0xbf: {  	[tilespmem:s29], [sflag:$0x7] =	stream.indirect.gather [hbm4b:s4+s17], $0x20, s18, s17, $0xb8;
	[tilespmem:$0xE400] =	vst v63  }
0xc0: {  	s29 =	simm.s32 $0x4  }
0xc1: {  	_ =	swait.ge [sflag:s29], $0x1000  }
0xc2: {  	p0 =	sne.s32 s16, $0x17000;
	s18 =	rddreg [dreg:$0x9];
	[sflag:s29] =	ssyncset.done $0x0  }
.Ltmp0:
0xc3: {  	[sflag:s29] =	ssyncadd.s32 $0xFFFFF000;
	s5 =	sadd.s32 s5, s18;
	(pc) =	sbr.rel @p0 .LBB2_2-.Ltmp0, $4  }
0xc4: {  	[hbm4b:s5+s3] =	stream.linear.scatter [tilespmem:s30], [sflag:$0xC], $0x1000, $0x38;
	[tilespmem:$0xE400] =	vst v63  }
0xc5: {  	s16 =	sadd.s32 $0x1000, s16;
	s15 =	sadd.s32 $0x8000, s15;
	_ =	swait.ge [sflag:s14], $0x1000  }
0xc6: {  	s25 =	simm.s32 $0xA400;
	s0 =	simm.s32 $0xB400;
	[sflag:s14] =	ssyncset.done $0x0  }
0xc7: {  	s24 =	simm.s32 $0xC400;
	s2 =	sadd.s32 $0x780, s2;
	[sflag:s14] =	ssyncadd.s32 $0xFFFFF000  }
0xc8: {  	s5 =	simm.s32 $0xD400;
	s18 =	simm.s32 $0x5  }
0xc9: {  	[tilespmem:s5], [sflag:$0x8] =	stream.indirect.gather [hbm4b:s4+s17], $0x20, s2, s17, $0xb8;
	[tilespmem:$0xE400] =	vst v63  }
0xca: {  	_ =	swait.ge [sflag:s18], $0x1000  }
0xcb: {  	[sflag:s18] =	ssyncset.done $0x0  }
0xcc: {  	s20 =	rddreg [dreg:$0xf];
	[sflag:s18] =	ssyncadd.s32 $0xFFFFF000  }
0xcd: {  	[hbm4b:s20+s3] =	stream.linear.scatter [tilespmem:s25], [sflag:$0xD], $0x1000, $0x38;
	[tilespmem:$0xE400] =	vst v63  }
0xce: {  	_ =	swait.ge [sflag:s22], $0x1000  }
0xcf: {  	[sflag:s22] =	ssyncset.done $0x0  }
0xd0: {  	s21 =	rddreg [dreg:$0x10];
	[sflag:s22] =	ssyncadd.s32 $0xFFFFF000  }
0xd1: {  	[hbm4b:s21+s3] =	stream.linear.scatter [tilespmem:s0], [sflag:$0xE], $0x1000, $0x38;
	[tilespmem:$0xE400] =	vst v63  }
0xd2: {  	_ =	swait.ge [sflag:s7], $0x1000  }
0xd3: {  	[sflag:s7] =	ssyncset.done $0x0  }
0xd4: {  	s23 =	rddreg [dreg:$0x11];
	[sflag:s7] =	ssyncadd.s32 $0xFFFFF000  }
0xd5: {  	[hbm4b:s23+s3] =	stream.linear.scatter [tilespmem:s24], [sflag:$0xF], $0x1000, $0x38;
	[tilespmem:$0xE400] =	vst v63  }
0xd6: {  	_ =	swait.ge [sflag:s9], $0x1000  }
0xd7: {  	[sflag:s9] =	ssyncset.done $0x0  }
0xd8: {  	s25 =	rddreg [dreg:$0x12];
	[sflag:s9] =	ssyncadd.s32 $0xFFFFF000  }
0xd9: {  	[hbm4b:s25+s3] =	stream.linear.scatter [tilespmem:s5], [sflag:$0x10], $0x1000, $0x38;
	[tilespmem:$0xE400] =	vst v63  }
0xda: {  	_ =	swait.ge [sflag:s1], $0x1000  }
0xdb: {  	[sflag:s1] =	ssyncset.done $0x0  }
0xdc: {  	[sflag:s1] =	ssyncadd.s32 $0xFFFFF000  }
0xdd: {  	_ =	swait.ge [sflag:s6], $0x1000  }
0xde: {  	[sflag:s6] =	ssyncset.done $0x0  }
0xdf: {  	[sflag:s6] =	ssyncadd.s32 $0xFFFFF000  }
0xe0: {  	_ =	swait.ge [sflag:s8], $0x1000  }
0xe1: {  	[sflag:s8] =	ssyncset.done $0x0  }
0xe2: {  	[sflag:s8] =	ssyncadd.s32 $0xFFFFF000  }
0xe3: {  	_ =	swait.ge [sflag:s10], $0x1000  }
0xe4: {  	[sflag:s10] =	ssyncset.done $0x0  }
0xe5: {  	[sflag:s10] =	ssyncadd.s32 $0xFFFFF000  }
0xe6: {  	_ =	swait.ge [sflag:s11], $0x1000  }
0xe7: {  	[sflag:s11] =	ssyncset.done $0x0  }
0xe8: {  	[sflag:s11] =	ssyncadd.s32 $0xFFFFF000  }
0xe9: {  	_ =	swait.ge [sflag:s12], $0x1000  }
0xea: {  	[sflag:s12] =	ssyncset.done $0x0  }
0xeb: {  	[sflag:s12] =	ssyncadd.s32 $0xFFFFF000  }
0xec: {  	_ =	swait.ge [sflag:s13], $0x1000  }
0xed: {  	[sflag:s13] =	ssyncset.done $0x0  }
0xee: {  	[sflag:s13] =	ssyncadd.s32 $0xFFFFF000  }
0xef: {  	_ =	swait.ge [sflag:s14], $0x1000  }
0xf0: {  	s26 =	rddreg [dreg:$0x15]  }
0xf1: {  	s28 =	rddreg [dreg:$0x13];
	s0 =	sadd.s32 $0x1, s26  }
0xf2: {  	p0 =	sne.s32 s0, s28  }
.Ltmp1:
0xf3: {  	_ = 	snop;
	(pc) =	sbr.rel @p0 .LBB2_1-.Ltmp1, $4  }
0xf4: {  	_ = 	snop  }
0xf5: {  	s15 =	simm.s32 $0x6400;
	s16 =	simm.s32 $0x7400;
	s18 =	simm.s32 $0x8400  }
0xf6: {  	s20 =	simm.s32 $0x3;
	s21 =	simm.s32 $0x9400;
	[sflag:s14] =	ssyncset.done $0x0  }
0xf7: {  	s24 =	simm.s32 $0x1;
	s25 =	simm.s32 $0x2;
	[sflag:s14] =	ssyncadd.s32 $0xFFFFF000  }
0xf8: {  	_ =	sfence.sel $0x180000  }
0xf9: {  	[bflag:$0x0] =	sbarrier.arrive $0xFFFF  }
0xfa: {  	_ =	strace $0x90000047  }
0xfb: {  	s0 =	stileid.u32;
	[bflag:$0x2] =	sbarrier.arrive $0xFFFF  }
0xfc: {  	p0 =	sne.s32 s0, $0x0;
	s0 =	rddreg [dreg:$0x2]  }
0xfd: {  	s0 =	sadd.s32 @!p0 $0x100000, s0  }
0xfe: {  	[sflag:s0] =	ssyncadd.tile.s32 @!p0 $0x1;
	_ =	shalt  }
.Lfunc_end2:
_tile_overlayer_lowered:
.L_overlay_start_2:
0xff: {  	(tag) =	ssettag $0x2  }
0x100: {  	s0 =	rddreg [dreg:$0x0];
	s2 =	stileid.u32  }
0x101: {  	s1 =	rddreg [dreg:$0x1];
	p0 =	sne.s32 s2, $0x0  }
0x102: {  	s3 =	rddreg [dreg:$0x2];
	[bflag:$0x3] =	sbarrier.arrive $0xFFFF;
	s2 =	simm.s32 @!p0 $0x1C11  }
0x103: {  	[timem:s3], [sflag:s2] =	dma.local @!p0 [hbm:s0], s1  }
0x104: {  	s0 =	simm.s32 @!p0 $0x11  }
0x105: {  	_ =	swait.ge @!p0 [sflag:s0], s1  }
0x106: {  	s1 =	ssub.s32 @!p0 $0x0, s1;
	[sflag:s0] =	ssyncset.done @!p0 $0x0  }
0x107: {  	[sflag:s0] =	ssyncadd.s32 @!p0 s1  }
0x108: {  	[bflag:$0x3] =	sbarrier.arrive $0xFFFF  }
0x109: {  	_ =	shalt  }

// kernel: sparse-core-data-format-call.1.cloned.1.call-start
scs
called_computation.1_lowered:
.L_overlay_start_0:
0x0: {  	s2 =	sld [smem:$0x3FD9]  }
0x1: {  	s3 =	sld [smem:$0x3FFE];
	_ =	sdelay $0x1  }
0x2: {  	s1 =	srdreg.scid  }
0x3: {  	s0 =	sand.u32 $0x1, s1  }
0x4: {  	s18 =	sshll.u32 s0, $0xA;
	s2 =	sadd.s32 s3, s2  }
0x5: {  	s2 =	sadd.s32 s2, s18  }
0x6: {  	[smem:$0x3FC6] =	sst s2  }
0x7: {  	_ = 	snop  }
0x8: {  	s2 =	sld [smem:$0x3FD0];
	(tm) =	ssettm $0x1  }
0x9: {  	s19 =	sld [smem:$0x3FFB];
	_ =	sdelay $0x3  }
0xa: {  	_ =	strace s19  }
0xb: {  	s3 =	sld [smem:$0x3FFC];
	_ =	sdelay $0x3  }
0xc: {  	_ =	strace s3  }
0xd: {  	s3 =	sld [smem:$0x3FFD];
	_ =	sdelay $0x3  }
0xe: {  	_ =	strace s3  }
0xf: {  	_ =	strace $0x8FFFFFFF  }
0x10: {  	s20 =	sld [smem:$0x3FDB];
	_ =	sdelay $0x1  }
0x11: {  	s4 =	simm.s32 $_scs_section_size  }
0x12: {  	s5 =	simm.s32 $_size__tile_overlayer_lowered;
	s6 =	simm.s32 $_tile_overlayer_lowered  }
0x13: {  	s23 =	simm.s32 $0x1BFF;
	s22 =	sshll.u32 s6, $0x1;
	s3 =	sadd.s32 s4, s20  }
0x14: {  	s7 =	simm.s32 $0x0;
	s21 =	sshll.u32 s5, $0x1;
	s5 =	sadd.s32 s22, s3  }
0x15: {  	[timem:s7], [sflag:s23] =	dma.local [hbm:s5], s21  }
0x16: {  	_ =	swait.ge [sflag:s23], s21  }
0x17: {  	s4 =	ssub.s32 $0x0, s21;
	[sflag:s23] =	ssyncset.done $0x0  }
0x18: {  	[sflag:s23] =	ssyncadd.s32 s4;
	_ =	sdelay $0x1  }
0x19: {  	s24 =	simm.s32 $0x1B8B  }
0x1a: {  	_ =	swait.ge [sflag:s24], $0x1  }
0x1b: {  	[sflag:s24] =	ssyncset.done $0x0  }
0x1c: {  	s26 =	simm.s32 $0x1B8E;
	s25 =	sld [smem:$0x3FFE];
	[sflag:s24] =	ssyncadd.s32 $0xFFFFFFFF  }
0x1d: {  	s27 =	simm.s32 $execute0_lowered;
	[smem:$0x3FD2] =	sst s26  }
0x1e: {  	s5 =	sshll.u32 s27, $0x1;
	_ =	strace $0x80000049;
	[dreg:$0x1] =	wrdreg $0xFFFFFFFF  }
0x1f: {  	s28 =	simm.s32 $_size_execute0_lowered;
	s3 =	sadd.s32 s3, s5;
	[dreg:$0x0] =	wrdreg $0x0  }
0x20: {  	s5 =	sshll.u32 s28, $0x1;
	[dreg:$0x2] =	wrdreg s3  }
0x21: {  	[dreg:$0x3] =	wrdreg s5  }
0x22: {  	[dreg:$0x4] =	wrdreg $0xC0  }
0x23: {  	_ =	task [dreg:s7], $0x5FFFF  }
0x24: {  	[dreg:$0x1] =	wrdreg $0xFFFFFFFF  }
0x25: {  	[dreg:$0x0] =	wrdreg $0x60  }
0x26: {  	[dreg:$0x2] =	wrdreg s25  }
0x27: {  	[dreg:$0x3] =	wrdreg s2  }
0x28: {  	[dreg:$0x4] =	wrdreg $0x9  }
0x29: {  	_ =	task.clear_ibuf [dreg:s7], $0x5FFFF;
	_ =	strace $0x90000049  }
0x2a: {  	s29 =	simm.s32 $0x9;
	_ =	strace $0x8000004B  }
0x2b: {  	_ =	swait.ge [sflag:s29], $0x1  }
0x2c: {  	[sflag:s29] =	ssyncadd.s32 $0xFFFFFFFF  }
0x2d: {  	_ =	strace $0x9000004B  }
0x2e: {  	_ =	sfence  }
0x2f: {  	s30 =	sld [smem:$0x0];
	_ =	sdelay $0x2  }
0x30: {  	s31 =	sshll.u32 s1, $0xD;
	s1 =	sshrl.u32 s1, $0x2  }
0x31: {  	s3 =	sand.u32 $0x4000, s31;
	s1 =	sadd.s32 s1, s30  }
0x32: {  	s0 =	sor.u32 s3, s0;
	s1 =	sshll.u32 s1, $0x11  }
0x33: {  	s0 =	sor.u32 s1, s0  }
0x34: {  	s0 =	sadd.s32 $0x8F2B, s0  }
0x35: {  	[sflag:s0] =	ssyncadd.remote.s32 $0x1  }
0x36: {  	_ =	sfence.sel $0xFFFF  }
0x37: {  	[dreg:$0x0] =	wrdreg $0xFFFFFFFF;
	(pc) =	sbr.abs _section_cstart, $3  }
0x38: {  	[dreg:$0x1] =	wrdreg $0xFFFFFFFF  }
0x39: {  	_ =	task.clear_ibuf [dreg:s7], $0x2FFFF;
	_ =	strace $0x9FFFFFFF  }
0x3a: {  	(tm) =	ssettm $0x7FFFFFFF  }
0x3b: {  	_ =	shalt  }
tec
execute0_lowered:
.L_overlay_start_1:
0x0: {  	(tag) =	ssettag $0x1  }
0x1: {  	s1 =	rddreg [dreg:$0x0]  }
0x2: {  	s2 =	rddreg [dreg:$0x1]  }
0x3: {  	s0 =	rddreg [dreg:$0x2];
	_ =	strace $0x8000004A;
	s4 =	srdreg.scid  }
0x4: {  	s6 =	simm.s32 $0x2;
	s11 =	simm.s32 $0x0;
	p0 =	por $0x0, $0x0  }
.Ltmp0:
0x5: {  	s7 =	simm.s32 $0xC8000;
	s12 =	simm.s32 $0x0;
	(pc) =	sbr.rel .LBB1_1-.Ltmp0, $4  }
0x6: {  	s9 =	simm.s32 $0x0;
	s3 =	sadd.s32 $0xE00, s1;
	s5 =	sshll.u32 s4, $0x4  }
0x7: {  	s1 =	stileid.u32;
	s4 =	simm.s32 $0x1;
	s5 =	sand.u32 $0x10, s5  }
0x8: {  	s8 =	simm.s32 $0x0;
	[sflag:s4] =	ssyncpa.u1 $0x0;
	s5 =	sor.u32 s1, s5  }
0x9: {  	[sflag:s6] =	ssyncpa.u1 $0x0;
	s6 =	simm.s32 $0x200;
	s10 =	smov.u32 s5  }
.LBB1_7:
0xa: {  	s13 =	sadd.s32 $0x4, s9  }
0xb: {  	s11 =	sadd.s32 $0x20, s10;
	s15 =	smov.u32 s10;
	p2 =	sgt.s32 s13, $0xC7  }
0xc: {  	p1 =	slt.u32 s8, $0x2;
	s15 =	smov.u32 @p2 s11  }
0xd: {  	s8 =	sadd.s32 $0x1, s8;
	s13 =	simm.s32 @p2 $0x0;
	p2 =	sgt.s32 s15, $0x1F  }
0xe: {  	s15 =	smov.u32 @p2 s5;
	p2 =	sne.s32 s8, $0x34  }
.Ltmp1:
0xf: {  	_ = 	snop;
	(pc) =	sbr.rel @!p2 .LBB1_8-.Ltmp1, $4  }
0x10: {  	s14 =	simm.s32 @!p1 $0x2  }
0x11: {  	s12 =	smov.u32 s10;
	_ =	swait.ge @!p1 [sflag:s14], $0x4000  }
0x12: {  	p0 =	por !p0, !p0;
	s11 =	smov.u32 s9;
	[sflag:s14] =	ssyncset.done @!p1 $0x0  }
0x13: {  	s9 =	smov.u32 s13;
	[sflag:s14] =	ssyncadd.s32 @!p1 $0xFFFFC000;
	s10 =	smov.u32 s15  }
.LBB1_1:
0x14: {  	p1 =	sgt.u32 s8, $0x31  }
0x15: {  	s14 =	smul.u32 @!p1 $0x64000, s10  }
0x16: {  	s13 =	sxor.u32 @!p1 $0xFFFFFFFF, s8;
	s15 =	sshll.u32 @!p1 s9, $0xB  }
0x17: {  	s16 =	simm.s32 @!p1 $0x80;
	s13 =	sshll.u32 @!p1 s13, $0xE;
	s14 =	sadd.s32 @!p1 s3, s14  }
0x18: {  	s13 =	sand.u32 @!p1 $0x4000, s13;
	s14 =	sadd.s32 @!p1 s15, s14;
	s15 =	simm.s32 @!p1 $0x20  }
0x19: {  	[tilespmem:s13], [sflag:$0x1] =	stream.strided.gather @!p1 [hbm4b:s14+s15], $0x4000, s16, s15, $0x38;
	[tilespmem:$0x10100] =	vst v63  }
0x1a: {  	p1 =	seq.s32 s8, $0x0  }
0x1b: {  	p2 =	seq.s32 @!p1 s8, $0x33  }
0x1c: {  	p1 =	por p1, p2  }
.Ltmp2:
0x1d: {  	_ = 	snop;
	(pc) =	sbr.rel @p1 .LBB1_7-.Ltmp2, $1  }
0x1e: {  	_ =	sdelay $0x3  }
0x1f: {  	s13 =	simm.s32 $0x1;
	s15 =	sand.u32 $0x1, s8  }
0x20: {  	_ =	swait.ge [sflag:s4], $0x4000;
	s13 =	simm.s32 @!p0 $0x0;
	s16 =	smul.u32 $0x10200, s15  }
0x21: {  	[sflag:s4] =	ssyncset.done $0x0;
	s14 =	smul.u32 $0x10200, s13  }
0x22: {  	s13 =	sshll.u32 s13, $0xE;
	[sflag:s4] =	ssyncadd.s32 $0xFFFFC000  }
0x23: {  	s15 =	sor.u32 $0x10, s13;
	s31 =	sshrl.u32 s16, $0x2;
	s14 =	sshrl.u32 s14, $0x2  }
0x24: {  	s16 =	simm.s32 $0x0;
	s13 =	sor.u32 $0x8000, s31;
	s14 =	sor.u32 $0x8000, s14  }
.LBB1_3:
0x25: {  	v1 =	vld [tilespmem:s15+$0x0]  }
0x26: {  	v0 =	vld [tilespmem:s15+$0xFFFFFFF0];
	_ =	sdelay $0x2  }
0x27: {  	s19 =	sadd.s32 $0x0, s14  }
0x28: {  	s17 =	simm.s32 $0x4;
	s18 =	sadd.s32 $0x20, s15;
	[tilespmem:s19+$0x2040 ss:$0x204] =	vst.msk $0xffff, v1  }
.LBB1_4:
0x29: {  	v1 =	vld [tilespmem:s18+$0x0];
	p1 =	sne.s32 s17, $0x1FC;
	[tilespmem:s19+$0x0 ss:$0x204] =	vst.msk $0xffff, v0;
	s19 =	smov.u32 s17;
	s17 =	sadd.s32 $0x4, s17  }
.Ltmp3:
0x2a: {  	v0 =	vld [tilespmem:s18+$0xFFFFFFF0];
	(pc) =	sbr.rel @p1 .LBB1_4-.Ltmp3, $4  }
0x2b: {  	_ = 	snop  }
0x2c: {  	s19 =	sshra.s32 s19, $0x2  }
0x2d: {  	s19 =	sadd.s32 s19, s14  }
0x2e: {  	s18 =	sadd.s32 $0x20, s18;
	[tilespmem:s19+$0x2040 ss:$0x204] =	vst.msk $0xffff, v1  }
0x2f: {  	s16 =	sadd.s32 $0x1, s16  }
0x30: {  	p1 =	sne.s32 s16, $0x4  }
.Ltmp4:
0x31: {  	_ = 	snop;
	(pc) =	sbr.rel @p1 .LBB1_3-.Ltmp4, $2  }
0x32: {  	_ =	sdelay $0x2  }
0x33: {  	[tilespmem:s19+$0x0 ss:$0x204] =	vst.msk $0xffff, v0;
	s14 =	sadd.s32 $0x81, s14;
	s15 =	sadd.s32 $0x1000, s15  }
0x34: {  	s11 =	sand.u32 $0x1FFFFFF, s11  }
0x35: {  	s14 =	smulhi.u32 $0x147AE15, s11  }
0x36: {  	s12 =	smul.u32 $0xC80, s12  }
0x37: {  	s14 =	smul.u32 $0xC8, s14  }
.Ltmp5:
0x38: {  	_ = 	snop;
	(pc) =	sbr.rel .LBB1_7-.Ltmp5, $4  }
0x39: {  	s11 =	ssub.s32 s11, s14  }
0x3a: {  	s12 =	sadd.s32 s2, s12;
	s11 =	sshll.u32 s11, $0x4  }
0x3b: {  	s11 =	sadd.s32 s11, s12  }
0x3c: {  	[hbm4b:s11+s6] =	stream.strided.scatter [tilespmem:s13], [sflag:$0x2], $0x4000, s7, s6, $0x20;
	[tilespmem:$0x10100] =	vst v63  }
.LBB1_8:
0x3d: {  	_ =	sfence.sel $0x180000  }
0x3e: {  	s2 =	simm.s32 $0x1;
	[bflag:$0x0] =	sbarrier.arrive $0xFFFF  }
0x3f: {  	s31 =	simm.s32 $0x2;
	[sflag:s2] =	ssyncpa.u1 $0x1  }
0x40: {  	[sflag:s31] =	ssyncpa.u1 $0x1  }
0x41: {  	p0 =	sne.s32 s1, $0x0;
	_ =	strace $0x9000004A  }
0x42: {  	s0 =	sadd.s32 @!p0 $0x100000, s0;
	[bflag:$0x2] =	sbarrier.arrive $0xFFFF  }
0x43: {  	[sflag:s0] =	ssyncadd.tile.s32 @!p0 $0x1;
	_ =	shalt  }
.Lfunc_end1:
_tile_overlayer_lowered:
.L_overlay_start_2:
0x44: {  	(tag) =	ssettag $0x2  }
0x45: {  	s0 =	rddreg [dreg:$0x0];
	s2 =	stileid.u32  }
0x46: {  	s1 =	rddreg [dreg:$0x1];
	p0 =	sne.s32 s2, $0x0  }
0x47: {  	s3 =	rddreg [dreg:$0x2];
	[bflag:$0x3] =	sbarrier.arrive $0xFFFF;
	s2 =	simm.s32 @!p0 $0x1C01  }
0x48: {  	[timem:s3], [sflag:s2] =	dma.local @!p0 [hbm:s0], s1  }
0x49: {  	s0 =	simm.s32 @!p0 $0x1  }
0x4a: {  	_ =	swait.ge @!p0 [sflag:s0], s1  }
0x4b: {  	s1 =	ssub.s32 @!p0 $0x0, s1;
	[sflag:s0] =	ssyncset.done @!p0 $0x0  }
0x4c: {  	[sflag:s0] =	ssyncadd.s32 @!p0 s1  }
0x4d: {  	[bflag:$0x3] =	sbarrier.arrive $0xFFFF  }
0x4e: {  	_ =	shalt  }

// kernel: sparse-core-data-format-call.cloned.1.call-start
scs
called_computation_lowered:
.L_overlay_start_0:
0x0: {  	s2 =	sld [smem:$0x3FD9]  }
0x1: {  	s3 =	sld [smem:$0x3FFE];
	_ =	sdelay $0x1  }
0x2: {  	s1 =	srdreg.scid  }
0x3: {  	s0 =	sand.u32 $0x1, s1  }
0x4: {  	s18 =	sshll.u32 s0, $0xA;
	s2 =	sadd.s32 s3, s2  }
0x5: {  	s2 =	sadd.s32 s2, s18  }
0x6: {  	[smem:$0x3FC6] =	sst s2  }
0x7: {  	_ = 	snop  }
0x8: {  	s2 =	sld [smem:$0x3FD0];
	(tm) =	ssettm $0x1  }
0x9: {  	s19 =	sld [smem:$0x3FFB];
	_ =	sdelay $0x3  }
0xa: {  	_ =	strace s19  }
0xb: {  	s3 =	sld [smem:$0x3FFC];
	_ =	sdelay $0x3  }
0xc: {  	_ =	strace s3  }
0xd: {  	s3 =	sld [smem:$0x3FFD];
	_ =	sdelay $0x3  }
0xe: {  	_ =	strace s3  }
0xf: {  	_ =	strace $0x8FFFFFFF  }
0x10: {  	s20 =	sld [smem:$0x3FDB];
	_ =	sdelay $0x1  }
0x11: {  	s4 =	simm.s32 $_scs_section_size  }
0x12: {  	s5 =	simm.s32 $_size__tile_overlayer_lowered;
	s6 =	simm.s32 $_tile_overlayer_lowered  }
0x13: {  	s23 =	simm.s32 $0x1BFF;
	s22 =	sshll.u32 s6, $0x1;
	s3 =	sadd.s32 s4, s20  }
0x14: {  	s7 =	simm.s32 $0x0;
	s21 =	sshll.u32 s5, $0x1;
	s5 =	sadd.s32 s22, s3  }
0x15: {  	[timem:s7], [sflag:s23] =	dma.local [hbm:s5], s21  }
0x16: {  	_ =	swait.ge [sflag:s23], s21  }
0x17: {  	s4 =	ssub.s32 $0x0, s21;
	[sflag:s23] =	ssyncset.done $0x0  }
0x18: {  	[sflag:s23] =	ssyncadd.s32 s4;
	_ =	sdelay $0x1  }
0x19: {  	s24 =	simm.s32 $0x1B8B  }
0x1a: {  	_ =	swait.ge [sflag:s24], $0x1  }
0x1b: {  	[sflag:s24] =	ssyncset.done $0x0  }
0x1c: {  	s26 =	simm.s32 $0x1B8E;
	s25 =	sld [smem:$0x3FFE];
	[sflag:s24] =	ssyncadd.s32 $0xFFFFFFFF  }
0x1d: {  	s27 =	simm.s32 $execute0_lowered;
	[smem:$0x3FD2] =	sst s26  }
0x1e: {  	s5 =	sshll.u32 s27, $0x1;
	_ =	strace $0x8000004C;
	[dreg:$0x1] =	wrdreg $0xFFFFFFFF  }
0x1f: {  	s28 =	simm.s32 $_size_execute0_lowered;
	s3 =	sadd.s32 s3, s5;
	[dreg:$0x0] =	wrdreg $0x0  }
0x20: {  	s5 =	sshll.u32 s28, $0x1;
	[dreg:$0x2] =	wrdreg s3  }
0x21: {  	[dreg:$0x3] =	wrdreg s5  }
0x22: {  	[dreg:$0x4] =	wrdreg $0xC0  }
0x23: {  	_ =	task [dreg:s7], $0x5FFFF  }
0x24: {  	[dreg:$0x1] =	wrdreg $0xFFFFFFFF  }
0x25: {  	[dreg:$0x0] =	wrdreg $0x60  }
0x26: {  	[dreg:$0x2] =	wrdreg s25  }
0x27: {  	[dreg:$0x3] =	wrdreg s2  }
0x28: {  	[dreg:$0x4] =	wrdreg $0x9  }
0x29: {  	_ =	task.clear_ibuf [dreg:s7], $0x5FFFF;
	_ =	strace $0x9000004C  }
0x2a: {  	s29 =	simm.s32 $0x9;
	_ =	strace $0x8000004E  }
0x2b: {  	_ =	swait.ge [sflag:s29], $0x1  }
0x2c: {  	[sflag:s29] =	ssyncadd.s32 $0xFFFFFFFF  }
0x2d: {  	_ =	strace $0x9000004E  }
0x2e: {  	_ =	sfence  }
0x2f: {  	s30 =	sld [smem:$0x0];
	_ =	sdelay $0x2  }
0x30: {  	s31 =	sshll.u32 s1, $0xD;
	s1 =	sshrl.u32 s1, $0x2  }
0x31: {  	s3 =	sand.u32 $0x4000, s31;
	s1 =	sadd.s32 s1, s30  }
0x32: {  	s0 =	sor.u32 s3, s0;
	s1 =	sshll.u32 s1, $0x11  }
0x33: {  	s0 =	sor.u32 s1, s0  }
0x34: {  	s0 =	sadd.s32 $0x8F2B, s0  }
0x35: {  	[sflag:s0] =	ssyncadd.remote.s32 $0x1  }
0x36: {  	_ =	sfence.sel $0xFFFF  }
0x37: {  	[dreg:$0x0] =	wrdreg $0xFFFFFFFF;
	(pc) =	sbr.abs _section_cstart, $3  }
0x38: {  	[dreg:$0x1] =	wrdreg $0xFFFFFFFF  }
0x39: {  	_ =	task.clear_ibuf [dreg:s7], $0x2FFFF;
	_ =	strace $0x9FFFFFFF  }
0x3a: {  	(tm) =	ssettm $0x7FFFFFFF  }
0x3b: {  	_ =	shalt  }
tec
execute0_lowered:
.L_overlay_start_1:
0x0: {  	(tag) =	ssettag $0x1  }
0x1: {  	s8 =	rddreg [dreg:$0x0]  }
0x2: {  	s2 =	rddreg [dreg:$0x1];
	s1 =	stileid.u32  }
0x3: {  	s4 =	srdreg.scid;
	s0 =	rddreg [dreg:$0x2];
	_ =	strace $0x8000004D  }
0x4: {  	s9 =	simm.s32 $0x1;
	s31 =	simm.s32 $0x2;
	s16 =	simm.s32 $0x0  }
0x5: {  	s17 =	simm.s32 $0x0;
	s11 =	simm.s32 $0x0;
	s12 =	simm.s32 $0x0  }
0x6: {  	s15 =	simm.s32 $0x0;
	s3 =	sshll.u32 s1, $0x1;
	s4 =	sshll.u32 s4, $0x7  }
0x7: {  	s4 =	sand.u32 $0x80, s4;
	s5 =	ssub.s32 $0x20, s3;
	s14 =	smov.u32 s3  }
0x8: {  	s6 =	sshrl.u32 s5, $0x5;
	s5 =	sand.u32 $0x1E, s5;
	s7 =	ssub.s32 $0x4000, s4  }
0x9: {  	p0 =	sne.s32 s5, $0x0;
	s30 =	sshrl.u32 s7, $0x7;
	s7 =	sshrl.u32 s7, $0x8  }
.Ltmp0:
0xa: {  	s9 =	simm.s32 @!p0 $0x0;
	s10 =	sand.u32 $0x1, s30;
	(pc) =	sbr.rel .LBB1_1-.Ltmp0, $4  }
0xb: {  	s5 =	simm.s32 $0x1;
	s6 =	sadd.s32 s9, s6;
	s7 =	sadd.s32 s7, s10  }
0xc: {  	s13 =	smov.u32 s4;
	[sflag:s5] =	ssyncpa.u1 $0x0;
	s6 =	smul.u32 s6, s7  }
0xd: {  	p0 =	por $0x0, $0x0;
	[sflag:s31] =	ssyncpa.u1 $0x0;
	s10 =	simm.s32 $0x80000  }
0xe: {  	s7 =	sadd.s32 $0xE00, s8;
	s8 =	sadd.s32 $0x40E00, s8;
	s9 =	sadd.s32 $0x1, s6  }
.LBB1_7:
0xf: {  	p1 =	slt.u32 s15, $0x2  }
0x10: {  	s19 =	smov.u32 s17;
	p2 =	sgt.s32 @!p1 s17, $0x1E;
	s18 =	sshra.s32 @!p1 s17, $0x1F  }
0x11: {  	p3 =	sgt.s32 @!p1 s16, $0x3F80;
	s20 =	sshra.s32 @!p1 s16, $0x1F;
	p2 =	por !p2, p1  }
0x12: {  	s17 =	sand.u32 @!p1 s18, s17;
	p3 =	por !p3, p1;
	s18 =	smov.u32 s16  }
0x13: {  	s16 =	sand.u32 @!p1 s20, s16;
	s19 =	simm.s32 @p2 $0x1E;
	s18 =	simm.s32 @p3 $0x3F80  }
0x14: {  	s20 =	smov.u32 s14;
	s17 =	ssub.s32 @!p1 s19, s17;
	s16 =	ssub.s32 @!p1 s18, s16  }
0x15: {  	s18 =	sadd.s32 @!p1 $0xFFFFFFE2, s17;
	s17 =	ssub.s32 @!p1 $0x20, s17;
	s19 =	sadd.s32 @!p1 $0xFFFFC080, s16  }
0x16: {  	p2 =	sgt.s32 @!p1 s18, $0x1;
	s17 =	smul.u32 @!p1 $0x32, s17;
	p3 =	sgt.s32 @!p1 s19, $0x7F  }
0x17: {  	s16 =	ssub.s32 @!p1 $0x4000, s16;
	p2 =	por !p2, p1;
	p3 =	por !p3, p1  }
0x18: {  	s18 =	sadd.s32 $0x100, s13;
	s17 =	simm.s32 @!p2 $0x0;
	s16 =	simm.s32 @!p3 $0x0  }
0x19: {  	p2 =	sgt.s32 s18, $0x3FFF;
	s16 =	smul.u32 @!p1 s16, s17;
	s17 =	sadd.s32 $0x20, s14  }
0x1a: {  	s20 =	smov.u32 @p2 s17  }
0x1b: {  	s18 =	smov.u32 @p2 s4;
	p2 =	sgt.s32 s20, $0x1F  }
0x1c: {  	s20 =	smov.u32 @p2 s3;
	p2 =	sne.s32 s15, s9  }
.Ltmp1:
0x1d: {  	p0 =	por !p0, !p0;
	s19 =	simm.s32 @!p1 $0x2;
	(pc) =	sbr.rel @!p2 .LBB1_8-.Ltmp1, $4  }
0x1e: {  	s17 =	smov.u32 s12;
	s12 =	smov.u32 s14;
	s16 =	sand.u32 @!p1 $0x3FFFFFFE, s16  }
0x1f: {  	_ =	swait.ge @!p1 [sflag:s19], s16;
	s21 =	ssub.s32 @!p1 $0x0, s16;
	s16 =	smov.u32 s11  }
0x20: {  	s15 =	sadd.s32 $0x1, s15;
	s11 =	smov.u32 s13;
	[sflag:s19] =	ssyncset.done @!p1 $0x0  }
0x21: {  	s13 =	smov.u32 s18;
	s14 =	smov.u32 s20;
	[sflag:s19] =	ssyncadd.s32 @!p1 s21  }
.LBB1_1:
0x22: {  	p1 =	sge.u32 s15, s6  }
0x23: {  	s18 =	sxor.u32 @!p1 $0xFFFFFFFF, s15;
	s19 =	sshll.u32 @!p1 s14, $0x12  }
0x24: {  	s20 =	sshll.u32 @!p1 s13, $0x4;
	s22 =	simm.s32 @!p1 $0x40;
	s23 =	simm.s32 @!p1 $0x80  }
0x25: {  	s18 =	sshll.u32 @!p1 s18, $0xE;
	s20 =	sand.u32 @!p1 $0x3FFF0, s20;
	s21 =	sadd.s32 @!p1 s7, s19  }
0x26: {  	s19 =	sadd.s32 @!p1 s19, s8;
	s18 =	sand.u32 @!p1 $0x4000, s18;
	s21 =	sadd.s32 @!p1 s20, s21  }
0x27: {  	[tilespmem:s18], [sflag:$0x1] =	stream.strided.gather @!p1 [hbm4b:s21+s22], $0x2000, s23, s22, $0x38;
	[tilespmem:$0x10100] =	vst v63  }
0x28: {  	s31 =	sadd.s32 $0xFFFFFFFF, s15;
	s19 =	sadd.s32 @!p1 s20, s19;
	s18 =	sor.u32 @!p1 $0x2000, s18  }
0x29: {  	[tilespmem:s18], [sflag:$0x1] =	stream.strided.gather @!p1 [hbm4b:s19+s22], $0x2000, s23, s22, $0x38;
	[tilespmem:$0x10100] =	vst v63  }
0x2a: {  	p1 =	sge.u32 s31, s6  }
.Ltmp2:
0x2b: {  	_ = 	snop;
	(pc) =	sbr.rel @p1 .LBB1_7-.Ltmp2, $1  }
0x2c: {  	_ =	sdelay $0x3  }
0x2d: {  	s18 =	simm.s32 $0x1;
	s20 =	sand.u32 $0x1, s15  }
0x2e: {  	_ =	swait.ge [sflag:s5], $0x4000;
	s18 =	simm.s32 @!p0 $0x0;
	s20 =	smul.u32 $0x10200, s20  }
0x2f: {  	p2 =	por $0x1, $0x1;
	[sflag:s5] =	ssyncset.done $0x0;
	s19 =	smul.u32 $0x10200, s18  }
0x30: {  	s21 =	sshll.u32 s18, $0x10;
	[sflag:s5] =	ssyncadd.s32 $0xFFFFC000;
	s30 =	sshrl.u32 s20, $0x2  }
0x31: {  	s31 =	sshrl.u32 s21, $0x2;
	s21 =	simm.s32 $0x0;
	s19 =	sshrl.u32 s19, $0x2  }
0x32: {  	s18 =	sor.u32 $0x8000, s30;
	s20 =	sadd.s32 $0x20, s31;
	s19 =	sor.u32 $0x8000, s19  }
.LBB1_3:
0x33: {  	s22 =	sshll.u32 s21, $0xD  }
0x34: {  	s22 =	sand.u32 $0x3FFFE000, s22  }
0x35: {  	s24 =	sadd.s32 s22, s20  }
0x36: {  	s31 =	smul.u32 $0x204, s21;
	v3 =	vld [tilespmem:s24+$0x10]  }
0x37: {  	v1 =	vld [tilespmem:s24+$0xFFFFFFF0]  }
0x38: {  	s21 =	sshra.s32 s31, $0x2;
	v0 =	vld [tilespmem:s24+$0x0]  }
0x39: {  	s21 =	sadd.s32 s21, s19;
	v2 =	vld [tilespmem:s24+$0xFFFFFFE0]  }
0x3a: {  	s22 =	sadd.s32 $0x0, s21  }
0x3b: {  	p1 =	por p2, p2;
	s23 =	simm.s32 $0x4;
	s24 =	sadd.s32 $0x40, s24;
	[tilespmem:s22+$0x3060 ss:$0x102] =	vst.msk $0xffff, v3  }
.LBB1_4:
0x3c: {  	v3 =	vld [tilespmem:s24+$0x10];
	p2 =	sne.s32 s23, $0x1FC;
	[tilespmem:s22+$0x1020 ss:$0x102] =	vst.msk $0xffff, v1;
	s25 =	smov.u32 s23;
	s23 =	sadd.s32 $0x4, s23  }
.Ltmp3:
0x3d: {  	v1 =	vld [tilespmem:s24+$0xFFFFFFF0];
	[tilespmem:s22+$0x2040 ss:$0x102] =	vst.msk $0xffff, v0;
	(pc) =	sbr.rel @p2 .LBB1_4-.Ltmp3, $4  }
0x3e: {  	v0 =	vld [tilespmem:s24+$0x0];
	[tilespmem:s22+$0x0 ss:$0x102] =	vst.msk $0xffff, v2  }
0x3f: {  	s22 =	sshra.s32 s25, $0x2;
	v2 =	vld [tilespmem:s24+$0xFFFFFFE0]  }
0x40: {  	s22 =	sadd.s32 s22, s21  }
0x41: {  	s24 =	sadd.s32 $0x40, s24;
	[tilespmem:s22+$0x3060 ss:$0x102] =	vst.msk $0xffff, v3  }
.Ltmp4:
0x42: {  	(pc) =	sbr.rel @p1 .LBB1_3-.Ltmp4, $4  }
0x43: {  	_ = 	snop  }
0x44: {  	[tilespmem:s22+$0x1020 ss:$0x102] =	vst.msk $0xffff, v1  }
0x45: {  	[tilespmem:s22+$0x2040 ss:$0x102] =	vst.msk $0xffff, v0  }
0x46: {  	s21 =	simm.s32 $0x1;
	p2 =	por $0x0, $0x0;
	[tilespmem:s22+$0x0 ss:$0x102] =	vst.msk $0xffff, v2  }
0x47: {  	s19 =	sand.u32 $0x78, s11;
	p1 =	sgt.s32 s12, $0x1E;
	s20 =	smov.u32 s12  }
0x48: {  	s21 =	sshra.s32 s12, $0x1F;
	s22 =	sshll.u32 s12, $0xE;
	s23 =	sshll.u32 s11, $0x3  }
0x49: {  	s30 =	sshra.s32 s11, $0x1F;
	s25 =	sshll.u32 s12, $0x7;
	s20 =	simm.s32 @!p1 $0x1E  }
0x4a: {  	s21 =	sand.u32 s21, s12;
	s22 =	sand.u32 $0x60000, s22;
	p1 =	sgt.s32 s11, $0x3F80  }
0x4b: {  	s25 =	sand.u32 $0x380, s25;
	s20 =	ssub.s32 s20, s21;
	s21 =	smov.u32 s11  }
0x4c: {  	s22 =	sadd.s32 s22, s23;
	s24 =	sadd.s32 $0xFFFFFFE2, s20;
	s21 =	simm.s32 @!p1 $0x3F80  }
0x4d: {  	s20 =	ssub.s32 $0x20, s20;
	p1 =	sgt.s32 s24, $0x1;
	s24 =	sand.u32 s30, s11  }
0x4e: {  	s23 =	sand.u32 $0x3C00, s23;
	s20 =	smul.u32 $0x32, s20;
	s21 =	ssub.s32 s21, s24  }
0x4f: {  	s19 =	sor.u32 s25, s19;
	s22 =	sand.u32 $0x7C000, s22;
	s24 =	sadd.s32 $0xFFFFC080, s21  }
0x50: {  	s20 =	simm.s32 @p1 $0x0;
	s21 =	ssub.s32 $0x4000, s21;
	p1 =	sgt.s32 s24, $0x7F  }
.Ltmp5:
0x51: {  	s19 =	sor.u32 s23, s19;
	s21 =	simm.s32 @p1 $0x0;
	(pc) =	sbr.rel .LBB1_7-.Ltmp5, $4  }
0x52: {  	s31 =	sand.u32 $0x7, s11;
	s19 =	sor.u32 s22, s19;
	s20 =	smul.u32 s21, s20  }
0x53: {  	s19 =	sshrl.u32 s19, $0x3;
	s21 =	sshll.u32 s31, $0x12  }
0x54: {  	s19 =	sadd.s32 s2, s19;
	s21 =	sor.u32 $0x100, s21;
	s20 =	sand.u32 $0x3FFFFFFE, s20  }
0x55: {  	[hbm4b:s19+s21] =	stream.strided.scatter [tilespmem:s18], [sflag:$0x2], s20, s10, s21, $0x20;
	[tilespmem:$0x10100] =	vst v63  }
.LBB1_8:
0x56: {  	_ =	sfence.sel $0x180000  }
0x57: {  	s2 =	simm.s32 $0x1;
	[bflag:$0x0] =	sbarrier.arrive $0xFFFF  }
0x58: {  	s31 =	simm.s32 $0x2;
	[sflag:s2] =	ssyncpa.u1 $0x1  }
0x59: {  	[sflag:s31] =	ssyncpa.u1 $0x1  }
0x5a: {  	p0 =	sne.s32 s1, $0x0;
	_ =	strace $0x9000004D  }
0x5b: {  	s0 =	sadd.s32 @!p0 $0x100000, s0;
	[bflag:$0x2] =	sbarrier.arrive $0xFFFF  }
0x5c: {  	[sflag:s0] =	ssyncadd.tile.s32 @!p0 $0x1;
	_ =	shalt  }
.Lfunc_end1:
_tile_overlayer_lowered:
.L_overlay_start_2:
0x5d: {  	(tag) =	ssettag $0x2  }
0x5e: {  	s0 =	rddreg [dreg:$0x0];
	s2 =	stileid.u32  }
0x5f: {  	s1 =	rddreg [dreg:$0x1];
	p0 =	sne.s32 s2, $0x0  }
0x60: {  	s3 =	rddreg [dreg:$0x2];
	[bflag:$0x3] =	sbarrier.arrive $0xFFFF;
	s2 =	simm.s32 @!p0 $0x1C01  }
0x61: {  	[timem:s3], [sflag:s2] =	dma.local @!p0 [hbm:s0], s1  }
0x62: {  	s0 =	simm.s32 @!p0 $0x1  }
0x63: {  	_ =	swait.ge @!p0 [sflag:s0], s1  }
0x64: {  	s1 =	ssub.s32 @!p0 $0x0, s1;
	[sflag:s0] =	ssyncset.done @!p0 $0x0  }
0x65: {  	[sflag:s0] =	ssyncadd.s32 @!p0 s1  }
0x66: {  	[bflag:$0x3] =	sbarrier.arrive $0xFFFF  }
0x67: {  	_ =	shalt  }

</sc_bundles>
